<compile_context>
chip_gen: v7x
topology: tpu7x:2x2x1
jax: 0.10.2.dev20260603
libtpu: 0.0.44.dev20260713+nightly
codegen_flags: <defaults>
</compile_context>

<pallas_src>
import functools

import jax
import jax.numpy as jnp
from jax import lax
from jax.experimental import pallas as pl
from jax.experimental.pallas import tpu as pltpu
from jax.experimental.pallas import tpu_sc as plsc

N = 10000
E = 320000
WIDTH = 128
LANES = 16
NF = WIDTH // LANES

NC = 2
NS = 16
NW = NC * NS

NPT = 320
NPAD = NPT * NW

SEG = 2000
NSEG = E // SEG
CH = 64
QCAP = 4096
DRAIN_T = QCAP - SEG - CH


def _sc_segmin(src, dst, x):
    mesh = plsc.VectorSubcoreMesh(
        core_axis_name="c", subcore_axis_name="s",
        num_cores=NC, num_subcores=NS)

    @functools.partial(
        pl.kernel,
        out_type=jax.ShapeDtypeStruct((NPAD, WIDTH), jnp.float32),
        mesh=mesh,
        compiler_params=pltpu.CompilerParams(needs_layout_passes=False),
        scratch_types=[
            pltpu.VMEM((SEG,), jnp.int32),
            pltpu.VMEM((SEG,), jnp.int32),
            pltpu.VMEM((QCAP + LANES + LANES,), jnp.int32),
            pltpu.VMEM((QCAP + LANES + LANES,), jnp.int32),
            pltpu.VMEM((CH + LANES,), jnp.int32),
            pltpu.VMEM((CH + LANES,), jnp.int32),
            pltpu.VMEM((CH, WIDTH), jnp.float32),
            pltpu.VMEM((CH, WIDTH), jnp.float32),
            pltpu.VMEM((NPT, WIDTH), jnp.float32),
            pltpu.SemaphoreType.DMA,
            pltpu.SemaphoreType.DMA,
            pltpu.SemaphoreType.DMA,
        ],
    )
    def k(src_hbm, dst_hbm, x_hbm, out_hbm,
          dseg, sseg, qsrc, qdst, gi, gd, rows, rows2, acc, sem, sem2, semi):
        cid = lax.axis_index("c")
        sid = lax.axis_index("s")
        wid = sid * NC + cid
        lo = wid * NPT

        inf16 = jnp.full((LANES,), jnp.inf, jnp.float32)
        zero16 = jnp.zeros((LANES,), jnp.int32)

        def init_acc(r, _):
            for f in range(NF):
                acc[r, pl.ds(f * LANES, LANES)] = inf16
            return 0
        lax.fori_loop(0, NPT, init_acc, 0)

        def zero_q(i, _):
            qsrc[pl.ds(i * LANES, LANES)] = zero16
            qdst[pl.ds(i * LANES, LANES)] = zero16
            return 0
        lax.fori_loop(0, (QCAP + 2 * LANES) // LANES, zero_q, 0)
        for i in range(CH // LANES + 1):
            gi[pl.ds(i * LANES, LANES)] = zero16
            gd[pl.ds(i * LANES, LANES)] = zero16

        def rmw_snap(nb, buf):
            def e_body(i, _):
                d = gd[pl.ds(i, LANES)][0]
                for f in range(NF):
                    sl = pl.ds(f * LANES, LANES)
                    acc[d, sl] = jnp.minimum(acc[d, sl], buf[i, sl])
                return 0
            lax.fori_loop(0, nb, e_body, 0)

        def drain_all(qn):
            def ch_body(c, _):
                pltpu.async_copy(
                    x_hbm.at[qsrc.at[pl.ds(c * CH, CH)]], rows2, sem2).wait()

                def e_body(i, _):
                    d = qdst[pl.ds(c * CH + i, LANES)][0]
                    for f in range(NF):
                        sl = pl.ds(f * LANES, LANES)
                        acc[d, sl] = jnp.minimum(acc[d, sl], rows2[i, sl])
                    return 0
                lax.fori_loop(0, jnp.clip(qn - c * CH, 0, CH), e_body, 0)
                return 0
            lax.fori_loop(0, (qn + CH - 1) // CH, ch_body, 0)

        pltpu.async_copy(x_hbm.at[gi.at[pl.ds(0, CH)]], rows, sem)
        pltpu.async_copy(dst_hbm.at[pl.ds(0, SEG)], dseg, semi)
        pltpu.async_copy(src_hbm.at[pl.ds(0, SEG)], sseg, semi)

        def seg_body(s, carry):
            qn, nb_prev = carry
            pltpu.make_async_copy(dst_hbm.at[pl.ds(0, SEG)], dseg, semi).wait()
            pltpu.make_async_copy(src_hbm.at[pl.ds(0, SEG)], sseg, semi).wait()

            def scan_body(j, qn):
                dv = dseg[pl.ds(j * LANES, LANES)]
                sv = sseg[pl.ds(j * LANES, LANES)]
                dl = dv - lo
                m = (dl >= 0) & (dl < NPT)
                cum = plsc.cumsum(m.astype(jnp.int32))
                pos = jnp.where(m, qn + cum - 1, QCAP)
                plsc.store_scatter(qsrc, [pos], sv)
                plsc.store_scatter(qdst, [pos], dl)
                return qn + cum[LANES - 1]
            qn = lax.fori_loop(0, SEG // LANES, scan_body, qn)

            pltpu.make_async_copy(x_hbm.at[gi.at[pl.ds(0, CH)]], rows, sem).wait()
            rmw_snap(nb_prev, rows)

            @pl.when(qn > DRAIN_T)
            def _():
                drain_all(qn)
            qn = jnp.where(qn > DRAIN_T, 0, qn)

            for i in range(CH // LANES):
                gi[pl.ds(i * LANES, LANES)] = qsrc[pl.ds(i * LANES, LANES)]
                gd[pl.ds(i * LANES, LANES)] = qdst[pl.ds(i * LANES, LANES)]
            pltpu.async_copy(x_hbm.at[gi.at[pl.ds(0, CH)]], rows, sem)

            nxt = jnp.where(s + 1 < NSEG, s + 1, 0)
            pltpu.async_copy(dst_hbm.at[pl.ds(nxt * SEG, SEG)], dseg, semi)
            pltpu.async_copy(src_hbm.at[pl.ds(nxt * SEG, SEG)], sseg, semi)

            nb = jnp.minimum(qn, CH)
            rem = qn - nb

            def mv(i, _):
                v1 = qsrc[pl.ds(CH + i * LANES, LANES)]
                qsrc[pl.ds(i * LANES, LANES)] = v1
                v2 = qdst[pl.ds(CH + i * LANES, LANES)]
                qdst[pl.ds(i * LANES, LANES)] = v2
                return 0
            lax.fori_loop(0, (rem + LANES - 1) // LANES, mv, 0)
            return (rem, nb)
        qn, nb_last = lax.fori_loop(
            0, NSEG, seg_body, (jnp.int32(0), jnp.int32(0)))
        pltpu.make_async_copy(dst_hbm.at[pl.ds(0, SEG)], dseg, semi).wait()
        pltpu.make_async_copy(src_hbm.at[pl.ds(0, SEG)], sseg, semi).wait()
        pltpu.make_async_copy(x_hbm.at[gi.at[pl.ds(0, CH)]], rows, sem).wait()
        rmw_snap(nb_last, rows)
        drain_all(qn)

        pltpu.sync_copy(acc, out_hbm.at[pl.ds(wid * NPT, NPT)])

    return k(src, dst, x)


ROWS_BLK = 1000


def _tc_epilogue(x, segmin, w1, w2, b):
    def body(x_ref, s_ref, w1_ref, w2_ref, b_ref, o_ref):
        xb = x_ref[...]
        sb = s_ref[...]
        maxes = jnp.where(sb == jnp.inf, 0.0, xb - sb)
        h = jnp.dot(xb, w1_ref[...], preferred_element_type=jnp.float32)
        h = h + jnp.dot(maxes, w2_ref[...], preferred_element_type=jnp.float32)
        h = h + b_ref[...]
        o_ref[...] = xb + jnp.maximum(h, 0.0)

    grid = (N // ROWS_BLK,)
    return pl.pallas_call(
        body,
        grid=grid,
        in_specs=[
            pl.BlockSpec((ROWS_BLK, WIDTH), lambda i: (i, 0)),
            pl.BlockSpec((ROWS_BLK, WIDTH), lambda i: (i, 0)),
            pl.BlockSpec((WIDTH, WIDTH), lambda i: (0, 0)),
            pl.BlockSpec((WIDTH, WIDTH), lambda i: (0, 0)),
            pl.BlockSpec((1, WIDTH), lambda i: (0, 0)),
        ],
        out_specs=pl.BlockSpec((ROWS_BLK, WIDTH), lambda i: (i, 0)),
        out_shape=jax.ShapeDtypeStruct((N, WIDTH), jnp.float32),
    )(x, segmin, w1, w2, b)


def kernel(x, e, W, b):
    src = e[0]
    dst = e[1]
    segmin = _sc_segmin(src, dst, x)[:N]
    w1 = W[:WIDTH]
    w2 = W[WIDTH:]
    return _tc_epilogue(x, segmin, w1, w2, b.reshape(1, WIDTH))

# --- scband reference (transcript-rebuilt; emitter-appended) ---
"""Pipeline reference for scband-res-mrconv-59150289600865 (READ-ONLY COPY).

The authoritative reference and input builder live on the scoring server;
editing this copy changes nothing except your own understanding.
"""

import jax, jax.numpy as jnp
import numpy as np

N = 10000
E = 320000
WIDTH = 128


def setup_inputs(seed: int = 0) -> dict:
    key = jax.random.key(seed)
    k1, k2, k3, k4 = jax.random.split(key, 4)
    x = jax.random.normal(k1, (N, WIDTH), dtype=jnp.float32)
    e = jax.random.randint(k2, (2, E), 0, N, dtype=jnp.int32)
    # LinearBlock(2*width, width): Linear weight + bias (batch_norm=False, dropout=0.0)
    W = jax.random.normal(k3, (2 * WIDTH, WIDTH), dtype=jnp.float32) * (1.0 / np.sqrt(2 * WIDTH))
    b = jax.random.normal(k4, (WIDTH,), dtype=jnp.float32) * 0.01
    return {"x": x, "e": e, "W": W, "b": b}


def reference(x, e, W, b):
    # diffs = x[e[1]] - x[e[0]]
    src = jnp.take(x, e[0], axis=0)
    dst = jnp.take(x, e[1], axis=0)
    diffs = dst - src
    # scatter_max over dst index with dim_size = N
    seg = jax.ops.segment_max(diffs, e[1], num_segments=x.shape[0])
    # torch_scatter.scatter_max leaves empty segments at 0; segment_max fills with -inf
    counts = jnp.zeros((x.shape[0],), dtype=jnp.int32).at[e[1]].add(1)
    maxes = jnp.where((counts > 0)[:, None], seg, 0.0)
    # LinearBlock: Linear(2w -> w) + ReLU
    h = jnp.concatenate([x, maxes], axis=1)
    out = x + jax.nn.relu(h @ W + b)
    return out

if __name__ == "__main__":
    import jax
    _d = setup_inputs()
    print(jax.jit(kernel)(*tuple(_d.values())))

</pallas_src>

<mosaic_0001>
#map = affine_map<(d0, d1) -> (0)>
#map1 = affine_map<(d0, d1) -> (0, 0)>
module attributes {stable_mosaic.version = 14 : i64} {
  func.func @k(%arg0: i32, %arg1: i32, %arg2: memref<320000xi32, #tpu.memory_space<hbm>>, %arg3: memref<320000xi32, #tpu.memory_space<hbm>>, %arg4: memref<10000x128xf32, #tpu.memory_space<hbm>>, %arg5: memref<10240x128xf32, #tpu.memory_space<hbm>>, %arg6: memref<2000xi32, #tpu.memory_space<vmem>>, %arg7: memref<2000xi32, #tpu.memory_space<vmem>>, %arg8: memref<4128xi32, #tpu.memory_space<vmem>>, %arg9: memref<4128xi32, #tpu.memory_space<vmem>>, %arg10: memref<80xi32, #tpu.memory_space<vmem>>, %arg11: memref<80xi32, #tpu.memory_space<vmem>>, %arg12: memref<64x128xf32, #tpu.memory_space<vmem>>, %arg13: memref<64x128xf32, #tpu.memory_space<vmem>>, %arg14: memref<320x128xf32, #tpu.memory_space<vmem>>, %arg15: memref<!tpu.dma_semaphore, #tpu.memory_space<semaphore_mem>>, %arg16: memref<!tpu.dma_semaphore, #tpu.memory_space<semaphore_mem>>, %arg17: memref<!tpu.dma_semaphore, #tpu.memory_space<semaphore_mem>>) attributes {dimension_semantics = [#tpu.dimension_semantics<core_parallel>, #tpu.dimension_semantics<subcore_parallel>], iteration_bounds = array<i64: 2, 16>, scalar_prefetch = 0 : i64, scratch_operands = 12 : i64, tpu.core_type = #tpu.core_type<sc_vector_subcore>, window_params = [{transform_indices = #map}, {transform_indices = #map}, {transform_indices = #map1}, {transform_indices = #map1}]} {
    %mul3A = arith.constant 2 : i32
    %mul3A_0 = arith.muli %arg1, %mul3A : i32
    %add3A = arith.addi %mul3A_0, %arg0 : i32
    %mul3A_1 = arith.constant 320 : i32
    %mul3A_2 = arith.muli %add3A, %mul3A_1 : i32
    %broadcast_in_dim3A = arith.constant 0x7F800000 : f32
    %broadcast_in_dim3A_3 = vector.broadcast %broadcast_in_dim3A : f32 to vector<16xf32>
    %broadcast_in_dim3A_4 = arith.constant 0 : i32
    %broadcast_in_dim3A_5 = vector.broadcast %broadcast_in_dim3A_4 : i32 to vector<16xi32>
    %scan3A = arith.constant 0 : i32
    %scan3A_6 = arith.constant 0 : i32
    %scan3A_7 = arith.constant 320 : i32
    %scan3A_8 = arith.addi %scan3A_6, %scan3A_7 : i32
    %scan3A_9 = arith.constant 1 : i32
    %scan3A_10 = scf.for %scan3A_115 = %scan3A_6 to %scan3A_8 step %scan3A_9 iter_args(%scan3A_116 = %scan3A) -> (i32)  : i32 {
      %swap3A_117 = arith.index_cast %scan3A_115 : i32 to index
      %swap3A_118 = arith.constant 0 : index
      %swap3A_119 = tpu.vector_load %arg14[%swap3A_117, %swap3A_118] {strides = array<i32>} : memref<320x128xf32, #tpu.memory_space<vmem>>, vector<16xf32>,
      tpu.vector_store %arg14[%swap3A_117, %swap3A_118], %broadcast_in_dim3A_3 {strides = array<i32>} : memref<320x128xf32, #tpu.memory_space<vmem>>, vector<16xf32>,
      %swap3A_120 = arith.index_cast %scan3A_115 : i32 to index
      %swap3A_121 = arith.constant 16 : index
      %swap3A_122 = tpu.vector_load %arg14[%swap3A_120, %swap3A_121] {strides = array<i32>} : memref<320x128xf32, #tpu.memory_space<vmem>>, vector<16xf32>,
      tpu.vector_store %arg14[%swap3A_120, %swap3A_121], %broadcast_in_dim3A_3 {strides = array<i32>} : memref<320x128xf32, #tpu.memory_space<vmem>>, vector<16xf32>,
      %swap3A_123 = arith.index_cast %scan3A_115 : i32 to index
      %swap3A_124 = arith.constant 32 : index
      %swap3A_125 = tpu.vector_load %arg14[%swap3A_123, %swap3A_124] {strides = array<i32>} : memref<320x128xf32, #tpu.memory_space<vmem>>, vector<16xf32>,
      tpu.vector_store %arg14[%swap3A_123, %swap3A_124], %broadcast_in_dim3A_3 {strides = array<i32>} : memref<320x128xf32, #tpu.memory_space<vmem>>, vector<16xf32>,
      %swap3A_126 = arith.index_cast %scan3A_115 : i32 to index
      %swap3A_127 = arith.constant 48 : index
      %swap3A_128 = tpu.vector_load %arg14[%swap3A_126, %swap3A_127] {strides = array<i32>} : memref<320x128xf32, #tpu.memory_space<vmem>>, vector<16xf32>,
      tpu.vector_store %arg14[%swap3A_126, %swap3A_127], %broadcast_in_dim3A_3 {strides = array<i32>} : memref<320x128xf32, #tpu.memory_space<vmem>>, vector<16xf32>,
      %swap3A_129 = arith.index_cast %scan3A_115 : i32 to index
      %swap3A_130 = arith.constant 64 : index
      %swap3A_131 = tpu.vector_load %arg14[%swap3A_129, %swap3A_130] {strides = array<i32>} : memref<320x128xf32, #tpu.memory_space<vmem>>, vector<16xf32>,
      tpu.vector_store %arg14[%swap3A_129, %swap3A_130], %broadcast_in_dim3A_3 {strides = array<i32>} : memref<320x128xf32, #tpu.memory_space<vmem>>, vector<16xf32>,
      %swap3A_132 = arith.index_cast %scan3A_115 : i32 to index
      %swap3A_133 = arith.constant 80 : index
      %swap3A_134 = tpu.vector_load %arg14[%swap3A_132, %swap3A_133] {strides = array<i32>} : memref<320x128xf32, #tpu.memory_space<vmem>>, vector<16xf32>,
      tpu.vector_store %arg14[%swap3A_132, %swap3A_133], %broadcast_in_dim3A_3 {strides = array<i32>} : memref<320x128xf32, #tpu.memory_space<vmem>>, vector<16xf32>,
      %swap3A_135 = arith.index_cast %scan3A_115 : i32 to index
      %swap3A_136 = arith.constant 96 : index
      %swap3A_137 = tpu.vector_load %arg14[%swap3A_135, %swap3A_136] {strides = array<i32>} : memref<320x128xf32, #tpu.memory_space<vmem>>, vector<16xf32>,
      tpu.vector_store %arg14[%swap3A_135, %swap3A_136], %broadcast_in_dim3A_3 {strides = array<i32>} : memref<320x128xf32, #tpu.memory_space<vmem>>, vector<16xf32>,
      %swap3A_138 = arith.index_cast %scan3A_115 : i32 to index
      %swap3A_139 = arith.constant 112 : index
      %swap3A_140 = tpu.vector_load %arg14[%swap3A_138, %swap3A_139] {strides = array<i32>} : memref<320x128xf32, #tpu.memory_space<vmem>>, vector<16xf32>,
      tpu.vector_store %arg14[%swap3A_138, %swap3A_139], %broadcast_in_dim3A_3 {strides = array<i32>} : memref<320x128xf32, #tpu.memory_space<vmem>>, vector<16xf32>,
      %scan3A_141 = arith.constant 0 : i32
      scf.yield %scan3A_141 : i32
    }
    %scan3A_11 = arith.constant 320 : i32
    %scan3A_12 = arith.constant 0 : i32
    %scan3A_13 = arith.constant 0 : i32
    %scan3A_14 = arith.constant 258 : i32
    %scan3A_15 = arith.addi %scan3A_13, %scan3A_14 : i32
    %scan3A_16 = arith.constant 1 : i32
    %scan3A_17 = scf.for %scan3A_115 = %scan3A_13 to %scan3A_15 step %scan3A_16 iter_args(%scan3A_116 = %scan3A_12) -> (i32)  : i32 {
      %mul3A_117 = arith.constant 16 : i32
      %mul3A_118 = arith.muli %scan3A_115, %mul3A_117 : i32
      %swap3A_119 = arith.index_cast %mul3A_118 : i32 to index
      %swap3A_120 = tpu.vector_load %arg8[%swap3A_119] {strides = array<i32>} : memref<4128xi32, #tpu.memory_space<vmem>>, vector<16xi32>,
      tpu.vector_store %arg8[%swap3A_119], %broadcast_in_dim3A_5 {strides = array<i32>} : memref<4128xi32, #tpu.memory_space<vmem>>, vector<16xi32>,
      %mul3A_121 = arith.constant 16 : i32
      %mul3A_122 = arith.muli %scan3A_115, %mul3A_121 : i32
      %swap3A_123 = arith.index_cast %mul3A_122 : i32 to index
      %swap3A_124 = tpu.vector_load %arg9[%swap3A_123] {strides = array<i32>} : memref<4128xi32, #tpu.memory_space<vmem>>, vector<16xi32>,
      tpu.vector_store %arg9[%swap3A_123], %broadcast_in_dim3A_5 {strides = array<i32>} : memref<4128xi32, #tpu.memory_space<vmem>>, vector<16xi32>,
      %scan3A_125 = arith.constant 0 : i32
      scf.yield %scan3A_125 : i32
    }
    %scan3A_18 = arith.constant 258 : i32
    %swap3A = arith.constant 0 : index
    %swap3A_19 = tpu.vector_load %arg10[%swap3A] {strides = array<i32>} : memref<80xi32, #tpu.memory_space<vmem>>, vector<16xi32>,
    tpu.vector_store %arg10[%swap3A], %broadcast_in_dim3A_5 {strides = array<i32>} : memref<80xi32, #tpu.memory_space<vmem>>, vector<16xi32>,
    %swap3A_20 = arith.constant 0 : index
    %swap3A_21 = tpu.vector_load %arg11[%swap3A_20] {strides = array<i32>} : memref<80xi32, #tpu.memory_space<vmem>>, vector<16xi32>,
    tpu.vector_store %arg11[%swap3A_20], %broadcast_in_dim3A_5 {strides = array<i32>} : memref<80xi32, #tpu.memory_space<vmem>>, vector<16xi32>,
    %swap3A_22 = arith.constant 16 : index
    %swap3A_23 = tpu.vector_load %arg10[%swap3A_22] {strides = array<i32>} : memref<80xi32, #tpu.memory_space<vmem>>, vector<16xi32>,
    tpu.vector_store %arg10[%swap3A_22], %broadcast_in_dim3A_5 {strides = array<i32>} : memref<80xi32, #tpu.memory_space<vmem>>, vector<16xi32>,
    %swap3A_24 = arith.constant 16 : index
    %swap3A_25 = tpu.vector_load %arg11[%swap3A_24] {strides = array<i32>} : memref<80xi32, #tpu.memory_space<vmem>>, vector<16xi32>,
    tpu.vector_store %arg11[%swap3A_24], %broadcast_in_dim3A_5 {strides = array<i32>} : memref<80xi32, #tpu.memory_space<vmem>>, vector<16xi32>,
    %swap3A_26 = arith.constant 32 : index
    %swap3A_27 = tpu.vector_load %arg10[%swap3A_26] {strides = array<i32>} : memref<80xi32, #tpu.memory_space<vmem>>, vector<16xi32>,
    tpu.vector_store %arg10[%swap3A_26], %broadcast_in_dim3A_5 {strides = array<i32>} : memref<80xi32, #tpu.memory_space<vmem>>, vector<16xi32>,
    %swap3A_28 = arith.constant 32 : index
    %swap3A_29 = tpu.vector_load %arg11[%swap3A_28] {strides = array<i32>} : memref<80xi32, #tpu.memory_space<vmem>>, vector<16xi32>,
    tpu.vector_store %arg11[%swap3A_28], %broadcast_in_dim3A_5 {strides = array<i32>} : memref<80xi32, #tpu.memory_space<vmem>>, vector<16xi32>,
    %swap3A_30 = arith.constant 48 : index
    %swap3A_31 = tpu.vector_load %arg10[%swap3A_30] {strides = array<i32>} : memref<80xi32, #tpu.memory_space<vmem>>, vector<16xi32>,
    tpu.vector_store %arg10[%swap3A_30], %broadcast_in_dim3A_5 {strides = array<i32>} : memref<80xi32, #tpu.memory_space<vmem>>, vector<16xi32>,
    %swap3A_32 = arith.constant 48 : index
    %swap3A_33 = tpu.vector_load %arg11[%swap3A_32] {strides = array<i32>} : memref<80xi32, #tpu.memory_space<vmem>>, vector<16xi32>,
    tpu.vector_store %arg11[%swap3A_32], %broadcast_in_dim3A_5 {strides = array<i32>} : memref<80xi32, #tpu.memory_space<vmem>>, vector<16xi32>,
    %swap3A_34 = arith.constant 64 : index
    %swap3A_35 = tpu.vector_load %arg10[%swap3A_34] {strides = array<i32>} : memref<80xi32, #tpu.memory_space<vmem>>, vector<16xi32>,
    tpu.vector_store %arg10[%swap3A_34], %broadcast_in_dim3A_5 {strides = array<i32>} : memref<80xi32, #tpu.memory_space<vmem>>, vector<16xi32>,
    %swap3A_36 = arith.constant 64 : index
    %swap3A_37 = tpu.vector_load %arg11[%swap3A_36] {strides = array<i32>} : memref<80xi32, #tpu.memory_space<vmem>>, vector<16xi32>,
    tpu.vector_store %arg11[%swap3A_36], %broadcast_in_dim3A_5 {strides = array<i32>} : memref<80xi32, #tpu.memory_space<vmem>>, vector<16xi32>,
    %dma_start3A = arith.constant 0 : i32
    %dma_start3A_38 = tpu.memref_slice %arg10[%dma_start3A] : memref<80xi32, #tpu.memory_space<vmem>> -> memref<64xi32, #tpu.memory_space<vmem>>
    %dma_start3A_39 = arith.constant 0 : i32
    %dma_start3A_40 = arith.constant 0 : i32
    %dma_start3A_41 = tpu.memref_slice %arg4[%dma_start3A_39, %dma_start3A_40] : memref<10000x128xf32, #tpu.memory_space<hbm>> -> memref<10000x128xf32, #tpu.memory_space<hbm>>
    tpu.enqueue_indirect_dma source(%dma_start3A_41 : memref<10000x128xf32, #tpu.memory_space<hbm>>) target(%arg12 : memref<64x128xf32, #tpu.memory_space<vmem>>) offsets(%dma_start3A_38 : memref<64xi32, #tpu.memory_space<vmem>>) semaphore(%arg15 : memref<!tpu.dma_semaphore, #tpu.memory_space<semaphore_mem>>)
    %dma_start3A_42 = arith.constant 0 : i32
    %dma_start3A_43 = tpu.memref_slice %arg3[%dma_start3A_42] : memref<320000xi32, #tpu.memory_space<hbm>> -> memref<2000xi32, #tpu.memory_space<hbm>>
    %dma_start3A_44 = arith.constant 0 : i32
    %dma_start3A_45 = tpu.memref_slice %arg3[%dma_start3A_44] : memref<320000xi32, #tpu.memory_space<hbm>> -> memref<2000xi32, #tpu.memory_space<hbm>>
    tpu.enqueue_dma source(%dma_start3A_45 : memref<2000xi32, #tpu.memory_space<hbm>>) target(%arg6 : memref<2000xi32, #tpu.memory_space<vmem>>) target_semaphore(%arg17 : memref<!tpu.dma_semaphore, #tpu.memory_space<semaphore_mem>>)
    %dma_start3A_46 = arith.constant 0 : i32
    %dma_start3A_47 = tpu.memref_slice %arg2[%dma_start3A_46] : memref<320000xi32, #tpu.memory_space<hbm>> -> memref<2000xi32, #tpu.memory_space<hbm>>
    %dma_start3A_48 = arith.constant 0 : i32
    %dma_start3A_49 = tpu.memref_slice %arg2[%dma_start3A_48] : memref<320000xi32, #tpu.memory_space<hbm>> -> memref<2000xi32, #tpu.memory_space<hbm>>
    tpu.enqueue_dma source(%dma_start3A_49 : memref<2000xi32, #tpu.memory_space<hbm>>) target(%arg7 : memref<2000xi32, #tpu.memory_space<vmem>>) target_semaphore(%arg17 : memref<!tpu.dma_semaphore, #tpu.memory_space<semaphore_mem>>)
    %scan3A_50 = arith.constant 0 : i32
    %scan3A_51 = arith.constant 0 : i32
    %scan3A_52 = arith.constant 0 : i32
    %scan3A_53 = arith.constant 160 : i32
    %scan3A_54 = arith.addi %scan3A_52, %scan3A_53 : i32
    %scan3A_55 = arith.constant 1 : i32
    %scan3A_56:2 = scf.for %scan3A_115 = %scan3A_52 to %scan3A_54 step %scan3A_55 iter_args(%scan3A_116 = %scan3A_50, %scan3A_117 = %scan3A_51) -> (i32, i32)  : i32 {
      %dma_wait3A_118 = arith.constant 0 : i32
      %dma_wait3A_119 = tpu.memref_slice %arg3[%dma_wait3A_118] : memref<320000xi32, #tpu.memory_space<hbm>> -> memref<2000xi32, #tpu.memory_space<hbm>>
      %dma_wait3A_120 = arith.constant 0 : i32
      %dma_wait3A_121 = tpu.memref_slice %arg3[%dma_wait3A_120] : memref<320000xi32, #tpu.memory_space<hbm>> -> memref<2000xi32, #tpu.memory_space<hbm>>
      tpu.wait_dma2 semaphore(%arg17 : memref<!tpu.dma_semaphore, #tpu.memory_space<semaphore_mem>>) src(%dma_wait3A_121 : memref<2000xi32, #tpu.memory_space<hbm>>) dst(%arg6 : memref<2000xi32, #tpu.memory_space<vmem>>)
      %dma_wait3A_122 = arith.constant 0 : i32
      %dma_wait3A_123 = tpu.memref_slice %arg2[%dma_wait3A_122] : memref<320000xi32, #tpu.memory_space<hbm>> -> memref<2000xi32, #tpu.memory_space<hbm>>
      %dma_wait3A_124 = arith.constant 0 : i32
      %dma_wait3A_125 = tpu.memref_slice %arg2[%dma_wait3A_124] : memref<320000xi32, #tpu.memory_space<hbm>> -> memref<2000xi32, #tpu.memory_space<hbm>>
      tpu.wait_dma2 semaphore(%arg17 : memref<!tpu.dma_semaphore, #tpu.memory_space<semaphore_mem>>) src(%dma_wait3A_125 : memref<2000xi32, #tpu.memory_space<hbm>>) dst(%arg7 : memref<2000xi32, #tpu.memory_space<vmem>>)
      %scan3A_126 = arith.constant 0 : i32
      %scan3A_127 = arith.constant 125 : i32
      %scan3A_128 = arith.addi %scan3A_126, %scan3A_127 : i32
      %scan3A_129 = arith.constant 1 : i32
      %scan3A_130 = scf.for %scan3A_248 = %scan3A_126 to %scan3A_128 step %scan3A_129 iter_args(%scan3A_249 = %scan3A_116) -> (i32)  : i32 {
        %mul3A_250 = arith.constant 16 : i32
        %mul3A_251 = arith.muli %scan3A_248, %mul3A_250 : i32
        %get3A_252 = arith.index_cast %mul3A_251 : i32 to index
        %get3A_253 = tpu.vector_load %arg6[%get3A_252] {strides = array<i32>} : memref<2000xi32, #tpu.memory_space<vmem>>, vector<16xi32>,
        %mul3A_254 = arith.constant 16 : i32
        %mul3A_255 = arith.muli %scan3A_248, %mul3A_254 : i32
        %get3A_256 = arith.index_cast %mul3A_255 : i32 to index
        %get3A_257 = tpu.vector_load %arg7[%get3A_256] {strides = array<i32>} : memref<2000xi32, #tpu.memory_space<vmem>>, vector<16xi32>,
        %sub3A_258 = vector.broadcast %mul3A_2 : i32 to vector<16xi32>
        %sub3A_259 = arith.subi %get3A_253, %sub3A_258 : vector<16xi32>
        %ge3A = arith.constant 0 : i32
        %ge3A_260 = vector.broadcast %ge3A : i32 to vector<16xi32>
        %ge3A_261 = arith.cmpi sge, %sub3A_259, %ge3A_260 : vector<16xi32>
        %lt3A_262 = arith.constant 320 : i32
        %lt3A_263 = vector.broadcast %lt3A_262 : i32 to vector<16xi32>
        %lt3A_264 = arith.cmpi slt, %sub3A_259, %lt3A_263 : vector<16xi32>
        %and3A_265 = arith.andi %ge3A_261, %lt3A_264 : vector<16xi1>
        %convert_element_type3A_266 = arith.extui %and3A_265 : vector<16xi1> to vector<16xi32>
        %broadcast_in_dim3A_267 = arith.constant true
        %broadcast_in_dim3A_268 = vector.broadcast %broadcast_in_dim3A_267 : i1 to vector<16xi1>
        %masked_cumsum3A = tpu.scan <sum>, %convert_element_type3A_266 masked %broadcast_in_dim3A_268 : vector<16xi32>, vector<16xi1> -> vector<16xi32>
        %add3A_269 = vector.broadcast %scan3A_249 : i32 to vector<16xi32>
        %add3A_270 = arith.addi %add3A_269, %masked_cumsum3A : vector<16xi32>
        %sub3A_271 = arith.constant 1 : i32
        %sub3A_272 = vector.broadcast %sub3A_271 : i32 to vector<16xi32>
        %sub3A_273 = arith.subi %add3A_270, %sub3A_272 : vector<16xi32>
        %jit3A_274 = arith.constant 4096 : i32
        %broadcast_in_dim3A_275 = vector.broadcast %jit3A_274 : i32 to vector<16xi32>
        %select_n3A_276 = arith.select %and3A_265, %sub3A_273, %broadcast_in_dim3A_275 : vector<16xi1>, vector<16xi32>
        tpu.vector_store_idx %arg8[%select_n3A_276], %get3A_257 : memref<4128xi32, #tpu.memory_space<vmem>>[vector<16xi32>], vector<16xi32>,
        tpu.vector_store_idx %arg9[%select_n3A_276], %sub3A_259 : memref<4128xi32, #tpu.memory_space<vmem>>[vector<16xi32>], vector<16xi32>,
        %slice3A = vector.extract_strided_slice %masked_cumsum3A {offsets = [15], sizes = [1], strides = [1]} : vector<16xi32> to vector<1xi32>
        %squeeze3A = vector.extract %slice3A[0] : i32 from vector<1xi32>
        %add3A_277 = arith.addi %scan3A_249, %squeeze3A : i32
        scf.yield %add3A_277 : i32
      }
      %scan3A_131 = arith.constant 125 : i32
      %dma_wait3A_132 = arith.constant 0 : i32
      %dma_wait3A_133 = tpu.memref_slice %arg10[%dma_wait3A_132] : memref<80xi32, #tpu.memory_space<vmem>> -> memref<64xi32, #tpu.memory_space<vmem>>
      %dma_wait3A_134 = arith.constant 0 : i32
      %dma_wait3A_135 = arith.constant 0 : i32
      %dma_wait3A_136 = tpu.memref_slice %arg4[%dma_wait3A_134, %dma_wait3A_135] : memref<10000x128xf32, #tpu.memory_space<hbm>> -> memref<10000x128xf32, #tpu.memory_space<hbm>>
      tpu.wait_indirect_dma semaphore(%arg15 : memref<!tpu.dma_semaphore, #tpu.memory_space<semaphore_mem>>) src(%dma_wait3A_136 : memref<10000x128xf32, #tpu.memory_space<hbm>>) dst(%arg12 : memref<64x128xf32, #tpu.memory_space<vmem>>)
      %while3A_137 = arith.constant 0 : i32
      %while3A_138 = arith.constant 0 : i32
      %while3A_139 = arith.subi %scan3A_117, %while3A_137 : i32
      %while3A_140 = arith.addi %while3A_137, %while3A_139 : i32
      %while3A_141 = arith.constant 1 : i32
      %while3A_142 = arith.divsi %while3A_139, %while3A_141 : i32
      %while3A_143 = arith.muli %while3A_142, %while3A_141 : i32
      %while3A_144 = arith.addi %while3A_137, %while3A_143 : i32
      %while3A_145 = arith.constant 1 : i32
      %while3A_146 = scf.for %while3A_248 = %while3A_137 to %while3A_144 step %while3A_145 iter_args(%while3A_249 = %while3A_138) -> (i32)  : i32 {
        %get3A_250 = arith.index_cast %while3A_248 : i32 to index
        %get3A_251 = tpu.vector_load %arg11[%get3A_250] {strides = array<i32>} : memref<80xi32, #tpu.memory_space<vmem>>, vector<16xi32>,
        %slice3A = vector.extract_strided_slice %get3A_251 {offsets = [0], sizes = [1], strides = [1]} : vector<16xi32> to vector<1xi32>
        %squeeze3A = vector.extract %slice3A[0] : i32 from vector<1xi32>
        %get3A_252 = arith.index_cast %squeeze3A : i32 to index
        %get3A_253 = arith.constant 0 : index
        %get3A_254 = tpu.vector_load %arg14[%get3A_252, %get3A_253] {strides = array<i32>} : memref<320x128xf32, #tpu.memory_space<vmem>>, vector<16xf32>,
        %get3A_255 = arith.index_cast %while3A_248 : i32 to index
        %get3A_256 = arith.constant 0 : index
        %get3A_257 = tpu.vector_load %arg12[%get3A_255, %get3A_256] {strides = array<i32>} : memref<64x128xf32, #tpu.memory_space<vmem>>, vector<16xf32>,
        %min3A_258 = arith.minimumf %get3A_254, %get3A_257 : vector<16xf32>
        %swap3A_259 = arith.index_cast %squeeze3A : i32 to index
        %swap3A_260 = arith.constant 0 : index
        %swap3A_261 = tpu.vector_load %arg14[%swap3A_259, %swap3A_260] {strides = array<i32>} : memref<320x128xf32, #tpu.memory_space<vmem>>, vector<16xf32>,
        tpu.vector_store %arg14[%swap3A_259, %swap3A_260], %min3A_258 {strides = array<i32>} : memref<320x128xf32, #tpu.memory_space<vmem>>, vector<16xf32>,
        %get3A_262 = arith.index_cast %squeeze3A : i32 to index
        %get3A_263 = arith.constant 16 : index
        %get3A_264 = tpu.vector_load %arg14[%get3A_262, %get3A_263] {strides = array<i32>} : memref<320x128xf32, #tpu.memory_space<vmem>>, vector<16xf32>,
        %get3A_265 = arith.index_cast %while3A_248 : i32 to index
        %get3A_266 = arith.constant 16 : index
        %get3A_267 = tpu.vector_load %arg12[%get3A_265, %get3A_266] {strides = array<i32>} : memref<64x128xf32, #tpu.memory_space<vmem>>, vector<16xf32>,
        %min3A_268 = arith.minimumf %get3A_264, %get3A_267 : vector<16xf32>
        %swap3A_269 = arith.index_cast %squeeze3A : i32 to index
        %swap3A_270 = arith.constant 16 : index
        %swap3A_271 = tpu.vector_load %arg14[%swap3A_269, %swap3A_270] {strides = array<i32>} : memref<320x128xf32, #tpu.memory_space<vmem>>, vector<16xf32>,
        tpu.vector_store %arg14[%swap3A_269, %swap3A_270], %min3A_268 {strides = array<i32>} : memref<320x128xf32, #tpu.memory_space<vmem>>, vector<16xf32>,
        %get3A_272 = arith.index_cast %squeeze3A : i32 to index
        %get3A_273 = arith.constant 32 : index
        %get3A_274 = tpu.vector_load %arg14[%get3A_272, %get3A_273] {strides = array<i32>} : memref<320x128xf32, #tpu.memory_space<vmem>>, vector<16xf32>,
        %get3A_275 = arith.index_cast %while3A_248 : i32 to index
        %get3A_276 = arith.constant 32 : index
        %get3A_277 = tpu.vector_load %arg12[%get3A_275, %get3A_276] {strides = array<i32>} : memref<64x128xf32, #tpu.memory_space<vmem>>, vector<16xf32>,
        %min3A_278 = arith.minimumf %get3A_274, %get3A_277 : vector<16xf32>
        %swap3A_279 = arith.index_cast %squeeze3A : i32 to index
        %swap3A_280 = arith.constant 32 : index
        %swap3A_281 = tpu.vector_load %arg14[%swap3A_279, %swap3A_280] {strides = array<i32>} : memref<320x128xf32, #tpu.memory_space<vmem>>, vector<16xf32>,
        tpu.vector_store %arg14[%swap3A_279, %swap3A_280], %min3A_278 {strides = array<i32>} : memref<320x128xf32, #tpu.memory_space<vmem>>, vector<16xf32>,
        %get3A_282 = arith.index_cast %squeeze3A : i32 to index
        %get3A_283 = arith.constant 48 : index
        %get3A_284 = tpu.vector_load %arg14[%get3A_282, %get3A_283] {strides = array<i32>} : memref<320x128xf32, #tpu.memory_space<vmem>>, vector<16xf32>,
        %get3A_285 = arith.index_cast %while3A_248 : i32 to index
        %get3A_286 = arith.constant 48 : index
        %get3A_287 = tpu.vector_load %arg12[%get3A_285, %get3A_286] {strides = array<i32>} : memref<64x128xf32, #tpu.memory_space<vmem>>, vector<16xf32>,
        %min3A_288 = arith.minimumf %get3A_284, %get3A_287 : vector<16xf32>
        %swap3A_289 = arith.index_cast %squeeze3A : i32 to index
        %swap3A_290 = arith.constant 48 : index
        %swap3A_291 = tpu.vector_load %arg14[%swap3A_289, %swap3A_290] {strides = array<i32>} : memref<320x128xf32, #tpu.memory_space<vmem>>, vector<16xf32>,
        tpu.vector_store %arg14[%swap3A_289, %swap3A_290], %min3A_288 {strides = array<i32>} : memref<320x128xf32, #tpu.memory_space<vmem>>, vector<16xf32>,
        %get3A_292 = arith.index_cast %squeeze3A : i32 to index
        %get3A_293 = arith.constant 64 : index
        %get3A_294 = tpu.vector_load %arg14[%get3A_292, %get3A_293] {strides = array<i32>} : memref<320x128xf32, #tpu.memory_space<vmem>>, vector<16xf32>,
        %get3A_295 = arith.index_cast %while3A_248 : i32 to index
        %get3A_296 = arith.constant 64 : index
        %get3A_297 = tpu.vector_load %arg12[%get3A_295, %get3A_296] {strides = array<i32>} : memref<64x128xf32, #tpu.memory_space<vmem>>, vector<16xf32>,
        %min3A_298 = arith.minimumf %get3A_294, %get3A_297 : vector<16xf32>
        %swap3A_299 = arith.index_cast %squeeze3A : i32 to index
        %swap3A_300 = arith.constant 64 : index
        %swap3A_301 = tpu.vector_load %arg14[%swap3A_299, %swap3A_300] {strides = array<i32>} : memref<320x128xf32, #tpu.memory_space<vmem>>, vector<16xf32>,
        tpu.vector_store %arg14[%swap3A_299, %swap3A_300], %min3A_298 {strides = array<i32>} : memref<320x128xf32, #tpu.memory_space<vmem>>, vector<16xf32>,
        %get3A_302 = arith.index_cast %squeeze3A : i32 to index
        %get3A_303 = arith.constant 80 : index
        %get3A_304 = tpu.vector_load %arg14[%get3A_302, %get3A_303] {strides = array<i32>} : memref<320x128xf32, #tpu.memory_space<vmem>>, vector<16xf32>,
        %get3A_305 = arith.index_cast %while3A_248 : i32 to index
        %get3A_306 = arith.constant 80 : index
        %get3A_307 = tpu.vector_load %arg12[%get3A_305, %get3A_306] {strides = array<i32>} : memref<64x128xf32, #tpu.memory_space<vmem>>, vector<16xf32>,
        %min3A_308 = arith.minimumf %get3A_304, %get3A_307 : vector<16xf32>
        %swap3A_309 = arith.index_cast %squeeze3A : i32 to index
        %swap3A_310 = arith.constant 80 : index
        %swap3A_311 = tpu.vector_load %arg14[%swap3A_309, %swap3A_310] {strides = array<i32>} : memref<320x128xf32, #tpu.memory_space<vmem>>, vector<16xf32>,
        tpu.vector_store %arg14[%swap3A_309, %swap3A_310], %min3A_308 {strides = array<i32>} : memref<320x128xf32, #tpu.memory_space<vmem>>, vector<16xf32>,
        %get3A_312 = arith.index_cast %squeeze3A : i32 to index
        %get3A_313 = arith.constant 96 : index
        %get3A_314 = tpu.vector_load %arg14[%get3A_312, %get3A_313] {strides = array<i32>} : memref<320x128xf32, #tpu.memory_space<vmem>>, vector<16xf32>,
        %get3A_315 = arith.index_cast %while3A_248 : i32 to index
        %get3A_316 = arith.constant 96 : index
        %get3A_317 = tpu.vector_load %arg12[%get3A_315, %get3A_316] {strides = array<i32>} : memref<64x128xf32, #tpu.memory_space<vmem>>, vector<16xf32>,
        %min3A_318 = arith.minimumf %get3A_314, %get3A_317 : vector<16xf32>
        %swap3A_319 = arith.index_cast %squeeze3A : i32 to index
        %swap3A_320 = arith.constant 96 : index
        %swap3A_321 = tpu.vector_load %arg14[%swap3A_319, %swap3A_320] {strides = array<i32>} : memref<320x128xf32, #tpu.memory_space<vmem>>, vector<16xf32>,
        tpu.vector_store %arg14[%swap3A_319, %swap3A_320], %min3A_318 {strides = array<i32>} : memref<320x128xf32, #tpu.memory_space<vmem>>, vector<16xf32>,
        %get3A_322 = arith.index_cast %squeeze3A : i32 to index
        %get3A_323 = arith.constant 112 : index
        %get3A_324 = tpu.vector_load %arg14[%get3A_322, %get3A_323] {strides = array<i32>} : memref<320x128xf32, #tpu.memory_space<vmem>>, vector<16xf32>,
        %get3A_325 = arith.index_cast %while3A_248 : i32 to index
        %get3A_326 = arith.constant 112 : index
        %get3A_327 = tpu.vector_load %arg12[%get3A_325, %get3A_326] {strides = array<i32>} : memref<64x128xf32, #tpu.memory_space<vmem>>, vector<16xf32>,
        %min3A_328 = arith.minimumf %get3A_324, %get3A_327 : vector<16xf32>
        %swap3A_329 = arith.index_cast %squeeze3A : i32 to index
        %swap3A_330 = arith.constant 112 : index
        %swap3A_331 = tpu.vector_load %arg14[%swap3A_329, %swap3A_330] {strides = array<i32>} : memref<320x128xf32, #tpu.memory_space<vmem>>, vector<16xf32>,
        tpu.vector_store %arg14[%swap3A_329, %swap3A_330], %min3A_328 {strides = array<i32>} : memref<320x128xf32, #tpu.memory_space<vmem>>, vector<16xf32>,
        %while3A_332 = arith.constant 0 : i32
        scf.yield %while3A_332 : i32
      }
      %while3A_147 = arith.constant 1 : i32
      %while3A_148 = scf.for %while3A_248 = %while3A_144 to %while3A_140 step %while3A_147 iter_args(%while3A_249 = %while3A_146) -> (i32)  : i32 {
        %get3A_250 = arith.index_cast %while3A_248 : i32 to index
        %get3A_251 = tpu.vector_load %arg11[%get3A_250] {strides = array<i32>} : memref<80xi32, #tpu.memory_space<vmem>>, vector<16xi32>,
        %slice3A = vector.extract_strided_slice %get3A_251 {offsets = [0], sizes = [1], strides = [1]} : vector<16xi32> to vector<1xi32>
        %squeeze3A = vector.extract %slice3A[0] : i32 from vector<1xi32>
        %get3A_252 = arith.index_cast %squeeze3A : i32 to index
        %get3A_253 = arith.constant 0 : index
        %get3A_254 = tpu.vector_load %arg14[%get3A_252, %get3A_253] {strides = array<i32>} : memref<320x128xf32, #tpu.memory_space<vmem>>, vector<16xf32>,
        %get3A_255 = arith.index_cast %while3A_248 : i32 to index
        %get3A_256 = arith.constant 0 : index
        %get3A_257 = tpu.vector_load %arg12[%get3A_255, %get3A_256] {strides = array<i32>} : memref<64x128xf32, #tpu.memory_space<vmem>>, vector<16xf32>,
        %min3A_258 = arith.minimumf %get3A_254, %get3A_257 : vector<16xf32>
        %swap3A_259 = arith.index_cast %squeeze3A : i32 to index
        %swap3A_260 = arith.constant 0 : index
        %swap3A_261 = tpu.vector_load %arg14[%swap3A_259, %swap3A_260] {strides = array<i32>} : memref<320x128xf32, #tpu.memory_space<vmem>>, vector<16xf32>,
        tpu.vector_store %arg14[%swap3A_259, %swap3A_260], %min3A_258 {strides = array<i32>} : memref<320x128xf32, #tpu.memory_space<vmem>>, vector<16xf32>,
        %get3A_262 = arith.index_cast %squeeze3A : i32 to index
        %get3A_263 = arith.constant 16 : index
        %get3A_264 = tpu.vector_load %arg14[%get3A_262, %get3A_263] {strides = array<i32>} : memref<320x128xf32, #tpu.memory_space<vmem>>, vector<16xf32>,
        %get3A_265 = arith.index_cast %while3A_248 : i32 to index
        %get3A_266 = arith.constant 16 : index
        %get3A_267 = tpu.vector_load %arg12[%get3A_265, %get3A_266] {strides = array<i32>} : memref<64x128xf32, #tpu.memory_space<vmem>>, vector<16xf32>,
        %min3A_268 = arith.minimumf %get3A_264, %get3A_267 : vector<16xf32>
        %swap3A_269 = arith.index_cast %squeeze3A : i32 to index
        %swap3A_270 = arith.constant 16 : index
        %swap3A_271 = tpu.vector_load %arg14[%swap3A_269, %swap3A_270] {strides = array<i32>} : memref<320x128xf32, #tpu.memory_space<vmem>>, vector<16xf32>,
        tpu.vector_store %arg14[%swap3A_269, %swap3A_270], %min3A_268 {strides = array<i32>} : memref<320x128xf32, #tpu.memory_space<vmem>>, vector<16xf32>,
        %get3A_272 = arith.index_cast %squeeze3A : i32 to index
        %get3A_273 = arith.constant 32 : index
        %get3A_274 = tpu.vector_load %arg14[%get3A_272, %get3A_273] {strides = array<i32>} : memref<320x128xf32, #tpu.memory_space<vmem>>, vector<16xf32>,
        %get3A_275 = arith.index_cast %while3A_248 : i32 to index
        %get3A_276 = arith.constant 32 : index
        %get3A_277 = tpu.vector_load %arg12[%get3A_275, %get3A_276] {strides = array<i32>} : memref<64x128xf32, #tpu.memory_space<vmem>>, vector<16xf32>,
        %min3A_278 = arith.minimumf %get3A_274, %get3A_277 : vector<16xf32>
        %swap3A_279 = arith.index_cast %squeeze3A : i32 to index
        %swap3A_280 = arith.constant 32 : index
        %swap3A_281 = tpu.vector_load %arg14[%swap3A_279, %swap3A_280] {strides = array<i32>} : memref<320x128xf32, #tpu.memory_space<vmem>>, vector<16xf32>,
        tpu.vector_store %arg14[%swap3A_279, %swap3A_280], %min3A_278 {strides = array<i32>} : memref<320x128xf32, #tpu.memory_space<vmem>>, vector<16xf32>,
        %get3A_282 = arith.index_cast %squeeze3A : i32 to index
        %get3A_283 = arith.constant 48 : index
        %get3A_284 = tpu.vector_load %arg14[%get3A_282, %get3A_283] {strides = array<i32>} : memref<320x128xf32, #tpu.memory_space<vmem>>, vector<16xf32>,
        %get3A_285 = arith.index_cast %while3A_248 : i32 to index
        %get3A_286 = arith.constant 48 : index
        %get3A_287 = tpu.vector_load %arg12[%get3A_285, %get3A_286] {strides = array<i32>} : memref<64x128xf32, #tpu.memory_space<vmem>>, vector<16xf32>,
        %min3A_288 = arith.minimumf %get3A_284, %get3A_287 : vector<16xf32>
        %swap3A_289 = arith.index_cast %squeeze3A : i32 to index
        %swap3A_290 = arith.constant 48 : index
        %swap3A_291 = tpu.vector_load %arg14[%swap3A_289, %swap3A_290] {strides = array<i32>} : memref<320x128xf32, #tpu.memory_space<vmem>>, vector<16xf32>,
        tpu.vector_store %arg14[%swap3A_289, %swap3A_290], %min3A_288 {strides = array<i32>} : memref<320x128xf32, #tpu.memory_space<vmem>>, vector<16xf32>,
        %get3A_292 = arith.index_cast %squeeze3A : i32 to index
        %get3A_293 = arith.constant 64 : index
        %get3A_294 = tpu.vector_load %arg14[%get3A_292, %get3A_293] {strides = array<i32>} : memref<320x128xf32, #tpu.memory_space<vmem>>, vector<16xf32>,
        %get3A_295 = arith.index_cast %while3A_248 : i32 to index
        %get3A_296 = arith.constant 64 : index
        %get3A_297 = tpu.vector_load %arg12[%get3A_295, %get3A_296] {strides = array<i32>} : memref<64x128xf32, #tpu.memory_space<vmem>>, vector<16xf32>,
        %min3A_298 = arith.minimumf %get3A_294, %get3A_297 : vector<16xf32>
        %swap3A_299 = arith.index_cast %squeeze3A : i32 to index
        %swap3A_300 = arith.constant 64 : index
        %swap3A_301 = tpu.vector_load %arg14[%swap3A_299, %swap3A_300] {strides = array<i32>} : memref<320x128xf32, #tpu.memory_space<vmem>>, vector<16xf32>,
        tpu.vector_store %arg14[%swap3A_299, %swap3A_300], %min3A_298 {strides = array<i32>} : memref<320x128xf32, #tpu.memory_space<vmem>>, vector<16xf32>,
        %get3A_302 = arith.index_cast %squeeze3A : i32 to index
        %get3A_303 = arith.constant 80 : index
        %get3A_304 = tpu.vector_load %arg14[%get3A_302, %get3A_303] {strides = array<i32>} : memref<320x128xf32, #tpu.memory_space<vmem>>, vector<16xf32>,
        %get3A_305 = arith.index_cast %while3A_248 : i32 to index
        %get3A_306 = arith.constant 80 : index
        %get3A_307 = tpu.vector_load %arg12[%get3A_305, %get3A_306] {strides = array<i32>} : memref<64x128xf32, #tpu.memory_space<vmem>>, vector<16xf32>,
        %min3A_308 = arith.minimumf %get3A_304, %get3A_307 : vector<16xf32>
        %swap3A_309 = arith.index_cast %squeeze3A : i32 to index
        %swap3A_310 = arith.constant 80 : index
        %swap3A_311 = tpu.vector_load %arg14[%swap3A_309, %swap3A_310] {strides = array<i32>} : memref<320x128xf32, #tpu.memory_space<vmem>>, vector<16xf32>,
        tpu.vector_store %arg14[%swap3A_309, %swap3A_310], %min3A_308 {strides = array<i32>} : memref<320x128xf32, #tpu.memory_space<vmem>>, vector<16xf32>,
        %get3A_312 = arith.index_cast %squeeze3A : i32 to index
        %get3A_313 = arith.constant 96 : index
        %get3A_314 = tpu.vector_load %arg14[%get3A_312, %get3A_313] {strides = array<i32>} : memref<320x128xf32, #tpu.memory_space<vmem>>, vector<16xf32>,
        %get3A_315 = arith.index_cast %while3A_248 : i32 to index
        %get3A_316 = arith.constant 96 : index
        %get3A_317 = tpu.vector_load %arg12[%get3A_315, %get3A_316] {strides = array<i32>} : memref<64x128xf32, #tpu.memory_space<vmem>>, vector<16xf32>,
        %min3A_318 = arith.minimumf %get3A_314, %get3A_317 : vector<16xf32>
        %swap3A_319 = arith.index_cast %squeeze3A : i32 to index
        %swap3A_320 = arith.constant 96 : index
        %swap3A_321 = tpu.vector_load %arg14[%swap3A_319, %swap3A_320] {strides = array<i32>} : memref<320x128xf32, #tpu.memory_space<vmem>>, vector<16xf32>,
        tpu.vector_store %arg14[%swap3A_319, %swap3A_320], %min3A_318 {strides = array<i32>} : memref<320x128xf32, #tpu.memory_space<vmem>>, vector<16xf32>,
        %get3A_322 = arith.index_cast %squeeze3A : i32 to index
        %get3A_323 = arith.constant 112 : index
        %get3A_324 = tpu.vector_load %arg14[%get3A_322, %get3A_323] {strides = array<i32>} : memref<320x128xf32, #tpu.memory_space<vmem>>, vector<16xf32>,
        %get3A_325 = arith.index_cast %while3A_248 : i32 to index
        %get3A_326 = arith.constant 112 : index
        %get3A_327 = tpu.vector_load %arg12[%get3A_325, %get3A_326] {strides = array<i32>} : memref<64x128xf32, #tpu.memory_space<vmem>>, vector<16xf32>,
        %min3A_328 = arith.minimumf %get3A_324, %get3A_327 : vector<16xf32>
        %swap3A_329 = arith.index_cast %squeeze3A : i32 to index
        %swap3A_330 = arith.constant 112 : index
        %swap3A_331 = tpu.vector_load %arg14[%swap3A_329, %swap3A_330] {strides = array<i32>} : memref<320x128xf32, #tpu.memory_space<vmem>>, vector<16xf32>,
        tpu.vector_store %arg14[%swap3A_329, %swap3A_330], %min3A_328 {strides = array<i32>} : memref<320x128xf32, #tpu.memory_space<vmem>>, vector<16xf32>,
        %while3A_332 = arith.constant 0 : i32
        scf.yield %while3A_332 : i32
      }
      %gt3A = arith.constant 2032 : i32
      %gt3A_149 = arith.cmpi sgt, %scan3A_130, %gt3A : i32
      %convert_element_type3A = arith.extui %gt3A_149 : i1 to i32
      %cond3A = arith.constant 0 : i32
      %cond3A_150 = arith.cmpi ne, %convert_element_type3A, %cond3A : i32
      scf.if %cond3A_150 {
        %add3A_248 = arith.constant 64 : i32
        %add3A_249 = arith.addi %scan3A_130, %add3A_248 : i32
        %sub3A_250 = arith.constant 1 : i32
        %sub3A_251 = arith.subi %add3A_249, %sub3A_250 : i32
        %jit3A_252 = arith.constant 64 : i32
        %div3A_253 = arith.divsi %sub3A_251, %jit3A_252 : i32
        %sign3A_254 = arith.constant 0 : i32
        %sign3A_255 = arith.cmpi sgt, %sub3A_251, %sign3A_254 : i32
        %sign3A_256 = arith.extui %sign3A_255 : i1 to i32
        %sign3A_257 = arith.constant 0 : i32
        %sign3A_258 = arith.cmpi slt, %sub3A_251, %sign3A_257 : i32
        %sign3A_259 = arith.extui %sign3A_258 : i1 to i32
        %sign3A_260 = arith.subi %sign3A_256, %sign3A_259 : i32
        %sign3A_261 = arith.constant 0 : i32
        %sign3A_262 = arith.cmpi sgt, %jit3A_252, %sign3A_261 : i32
        %sign3A_263 = arith.extui %sign3A_262 : i1 to i32
        %sign3A_264 = arith.constant 0 : i32
        %sign3A_265 = arith.cmpi slt, %jit3A_252, %sign3A_264 : i32
        %sign3A_266 = arith.extui %sign3A_265 : i1 to i32
        %sign3A_267 = arith.subi %sign3A_263, %sign3A_266 : i32
        %ne3A_268 = arith.cmpi ne, %sign3A_260, %sign3A_267 : i32
        %rem3A_269 = arith.remsi %sub3A_251, %jit3A_252 : i32
        %ne3A_270 = arith.constant 0 : i32
        %ne3A_271 = arith.cmpi ne, %rem3A_269, %ne3A_270 : i32
        %and3A_272 = arith.andi %ne3A_268, %ne3A_271 : i1
        %sub3A_273 = arith.constant 1 : i32
        %sub3A_274 = arith.subi %div3A_253, %sub3A_273 : i32
        %select_n3A_275 = arith.select %and3A_272, %sub3A_274, %div3A_253 : i32
        %while3A_276 = arith.constant 0 : i32
        %while3A_277 = arith.constant 0 : i32
        %while3A_278 = arith.subi %select_n3A_275, %while3A_276 : i32
        %while3A_279 = arith.addi %while3A_276, %while3A_278 : i32
        %while3A_280 = arith.constant 1 : i32
        %while3A_281 = arith.divsi %while3A_278, %while3A_280 : i32
        %while3A_282 = arith.muli %while3A_281, %while3A_280 : i32
        %while3A_283 = arith.addi %while3A_276, %while3A_282 : i32
        %while3A_284 = arith.constant 1 : i32
        %while3A_285 = scf.for %while3A_288 = %while3A_276 to %while3A_283 step %while3A_284 iter_args(%while3A_289 = %while3A_277) -> (i32)  : i32 {
          %mul3A_290 = arith.constant 64 : i32
          %mul3A_291 = arith.muli %while3A_288, %mul3A_290 : i32
          %dma_start3A_292 = tpu.memref_slice %arg8[%mul3A_291] : memref<4128xi32, #tpu.memory_space<vmem>> -> memref<64xi32, #tpu.memory_space<vmem>>
          %dma_start3A_293 = arith.constant 0 : i32
          %dma_start3A_294 = arith.constant 0 : i32
          %dma_start3A_295 = tpu.memref_slice %arg4[%dma_start3A_293, %dma_start3A_294] : memref<10000x128xf32, #tpu.memory_space<hbm>> -> memref<10000x128xf32, #tpu.memory_space<hbm>>
          tpu.enqueue_indirect_dma source(%dma_start3A_295 : memref<10000x128xf32, #tpu.memory_space<hbm>>) target(%arg13 : memref<64x128xf32, #tpu.memory_space<vmem>>) offsets(%dma_start3A_292 : memref<64xi32, #tpu.memory_space<vmem>>) semaphore(%arg16 : memref<!tpu.dma_semaphore, #tpu.memory_space<semaphore_mem>>)
          %dma_wait3A_296 = tpu.memref_slice %arg8[%mul3A_291] : memref<4128xi32, #tpu.memory_space<vmem>> -> memref<64xi32, #tpu.memory_space<vmem>>
          %dma_wait3A_297 = arith.constant 0 : i32
          %dma_wait3A_298 = arith.constant 0 : i32
          %dma_wait3A_299 = tpu.memref_slice %arg4[%dma_wait3A_297, %dma_wait3A_298] : memref<10000x128xf32, #tpu.memory_space<hbm>> -> memref<10000x128xf32, #tpu.memory_space<hbm>>
          tpu.wait_indirect_dma semaphore(%arg16 : memref<!tpu.dma_semaphore, #tpu.memory_space<semaphore_mem>>) src(%dma_wait3A_299 : memref<10000x128xf32, #tpu.memory_space<hbm>>) dst(%arg13 : memref<64x128xf32, #tpu.memory_space<vmem>>)
          %mul3A_300 = arith.constant 64 : i32
          %mul3A_301 = arith.muli %while3A_288, %mul3A_300 : i32
          %sub3A_302 = arith.subi %scan3A_130, %mul3A_301 : i32
          %jit3A_303 = arith.constant 0 : i32
          %jit3A_304 = arith.constant 64 : i32
          %max3A = arith.maxsi %jit3A_303, %sub3A_302 : i32
          %min3A_305 = arith.minsi %jit3A_304, %max3A : i32
          %while3A_306 = arith.constant 0 : i32
          %while3A_307 = arith.constant 0 : i32
          %while3A_308 = arith.subi %min3A_305, %while3A_306 : i32
          %while3A_309 = arith.addi %while3A_306, %while3A_308 : i32
          %while3A_310 = arith.constant 1 : i32
          %while3A_311 = arith.divsi %while3A_308, %while3A_310 : i32
          %while3A_312 = arith.muli %while3A_311, %while3A_310 : i32
          %while3A_313 = arith.addi %while3A_306, %while3A_312 : i32
          %while3A_314 = arith.constant 1 : i32
          %while3A_315 = scf.for %while3A_319 = %while3A_306 to %while3A_313 step %while3A_314 iter_args(%while3A_320 = %while3A_307) -> (i32)  : i32 {
            %mul3A_321 = arith.constant 64 : i32
            %mul3A_322 = arith.muli %while3A_288, %mul3A_321 : i32
            %add3A_323 = arith.addi %mul3A_322, %while3A_319 : i32
            %get3A_324 = arith.index_cast %add3A_323 : i32 to index
            %get3A_325 = tpu.vector_load %arg9[%get3A_324] {strides = array<i32>} : memref<4128xi32, #tpu.memory_space<vmem>>, vector<16xi32>,
            %slice3A = vector.extract_strided_slice %get3A_325 {offsets = [0], sizes = [1], strides = [1]} : vector<16xi32> to vector<1xi32>
            %squeeze3A = vector.extract %slice3A[0] : i32 from vector<1xi32>
            %get3A_326 = arith.index_cast %squeeze3A : i32 to index
            %get3A_327 = arith.constant 0 : index
            %get3A_328 = tpu.vector_load %arg14[%get3A_326, %get3A_327] {strides = array<i32>} : memref<320x128xf32, #tpu.memory_space<vmem>>, vector<16xf32>,
            %get3A_329 = arith.index_cast %while3A_319 : i32 to index
            %get3A_330 = arith.constant 0 : index
            %get3A_331 = tpu.vector_load %arg13[%get3A_329, %get3A_330] {strides = array<i32>} : memref<64x128xf32, #tpu.memory_space<vmem>>, vector<16xf32>,
            %min3A_332 = arith.minimumf %get3A_328, %get3A_331 : vector<16xf32>
            %swap3A_333 = arith.index_cast %squeeze3A : i32 to index
            %swap3A_334 = arith.constant 0 : index
            %swap3A_335 = tpu.vector_load %arg14[%swap3A_333, %swap3A_334] {strides = array<i32>} : memref<320x128xf32, #tpu.memory_space<vmem>>, vector<16xf32>,
            tpu.vector_store %arg14[%swap3A_333, %swap3A_334], %min3A_332 {strides = array<i32>} : memref<320x128xf32, #tpu.memory_space<vmem>>, vector<16xf32>,
            %get3A_336 = arith.index_cast %squeeze3A : i32 to index
            %get3A_337 = arith.constant 16 : index
            %get3A_338 = tpu.vector_load %arg14[%get3A_336, %get3A_337] {strides = array<i32>} : memref<320x128xf32, #tpu.memory_space<vmem>>, vector<16xf32>,
            %get3A_339 = arith.index_cast %while3A_319 : i32 to index
            %get3A_340 = arith.constant 16 : index
            %get3A_341 = tpu.vector_load %arg13[%get3A_339, %get3A_340] {strides = array<i32>} : memref<64x128xf32, #tpu.memory_space<vmem>>, vector<16xf32>,
            %min3A_342 = arith.minimumf %get3A_338, %get3A_341 : vector<16xf32>
            %swap3A_343 = arith.index_cast %squeeze3A : i32 to index
            %swap3A_344 = arith.constant 16 : index
            %swap3A_345 = tpu.vector_load %arg14[%swap3A_343, %swap3A_344] {strides = array<i32>} : memref<320x128xf32, #tpu.memory_space<vmem>>, vector<16xf32>,
            tpu.vector_store %arg14[%swap3A_343, %swap3A_344], %min3A_342 {strides = array<i32>} : memref<320x128xf32, #tpu.memory_space<vmem>>, vector<16xf32>,
            %get3A_346 = arith.index_cast %squeeze3A : i32 to index
            %get3A_347 = arith.constant 32 : index
            %get3A_348 = tpu.vector_load %arg14[%get3A_346, %get3A_347] {strides = array<i32>} : memref<320x128xf32, #tpu.memory_space<vmem>>, vector<16xf32>,
            %get3A_349 = arith.index_cast %while3A_319 : i32 to index
            %get3A_350 = arith.constant 32 : index
            %get3A_351 = tpu.vector_load %arg13[%get3A_349, %get3A_350] {strides = array<i32>} : memref<64x128xf32, #tpu.memory_space<vmem>>, vector<16xf32>,
            %min3A_352 = arith.minimumf %get3A_348, %get3A_351 : vector<16xf32>
            %swap3A_353 = arith.index_cast %squeeze3A : i32 to index
            %swap3A_354 = arith.constant 32 : index
            %swap3A_355 = tpu.vector_load %arg14[%swap3A_353, %swap3A_354] {strides = array<i32>} : memref<320x128xf32, #tpu.memory_space<vmem>>, vector<16xf32>,
            tpu.vector_store %arg14[%swap3A_353, %swap3A_354], %min3A_352 {strides = array<i32>} : memref<320x128xf32, #tpu.memory_space<vmem>>, vector<16xf32>,
            %get3A_356 = arith.index_cast %squeeze3A : i32 to index
            %get3A_357 = arith.constant 48 : index
            %get3A_358 = tpu.vector_load %arg14[%get3A_356, %get3A_357] {strides = array<i32>} : memref<320x128xf32, #tpu.memory_space<vmem>>, vector<16xf32>,
            %get3A_359 = arith.index_cast %while3A_319 : i32 to index
            %get3A_360 = arith.constant 48 : index
            %get3A_361 = tpu.vector_load %arg13[%get3A_359, %get3A_360] {strides = array<i32>} : memref<64x128xf32, #tpu.memory_space<vmem>>, vector<16xf32>,
            %min3A_362 = arith.minimumf %get3A_358, %get3A_361 : vector<16xf32>
            %swap3A_363 = arith.index_cast %squeeze3A : i32 to index
            %swap3A_364 = arith.constant 48 : index
            %swap3A_365 = tpu.vector_load %arg14[%swap3A_363, %swap3A_364] {strides = array<i32>} : memref<320x128xf32, #tpu.memory_space<vmem>>, vector<16xf32>,
            tpu.vector_store %arg14[%swap3A_363, %swap3A_364], %min3A_362 {strides = array<i32>} : memref<320x128xf32, #tpu.memory_space<vmem>>, vector<16xf32>,
            %get3A_366 = arith.index_cast %squeeze3A : i32 to index
            %get3A_367 = arith.constant 64 : index
            %get3A_368 = tpu.vector_load %arg14[%get3A_366, %get3A_367] {strides = array<i32>} : memref<320x128xf32, #tpu.memory_space<vmem>>, vector<16xf32>,
            %get3A_369 = arith.index_cast %while3A_319 : i32 to index
            %get3A_370 = arith.constant 64 : index
            %get3A_371 = tpu.vector_load %arg13[%get3A_369, %get3A_370] {strides = array<i32>} : memref<64x128xf32, #tpu.memory_space<vmem>>, vector<16xf32>,
            %min3A_372 = arith.minimumf %get3A_368, %get3A_371 : vector<16xf32>
            %swap3A_373 = arith.index_cast %squeeze3A : i32 to index
            %swap3A_374 = arith.constant 64 : index
            %swap3A_375 = tpu.vector_load %arg14[%swap3A_373, %swap3A_374] {strides = array<i32>} : memref<320x128xf32, #tpu.memory_space<vmem>>, vector<16xf32>,
            tpu.vector_store %arg14[%swap3A_373, %swap3A_374], %min3A_372 {strides = array<i32>} : memref<320x128xf32, #tpu.memory_space<vmem>>, vector<16xf32>,
            %get3A_376 = arith.index_cast %squeeze3A : i32 to index
            %get3A_377 = arith.constant 80 : index
            %get3A_378 = tpu.vector_load %arg14[%get3A_376, %get3A_377] {strides = array<i32>} : memref<320x128xf32, #tpu.memory_space<vmem>>, vector<16xf32>,
            %get3A_379 = arith.index_cast %while3A_319 : i32 to index
            %get3A_380 = arith.constant 80 : index
            %get3A_381 = tpu.vector_load %arg13[%get3A_379, %get3A_380] {strides = array<i32>} : memref<64x128xf32, #tpu.memory_space<vmem>>, vector<16xf32>,
            %min3A_382 = arith.minimumf %get3A_378, %get3A_381 : vector<16xf32>
            %swap3A_383 = arith.index_cast %squeeze3A : i32 to index
            %swap3A_384 = arith.constant 80 : index
            %swap3A_385 = tpu.vector_load %arg14[%swap3A_383, %swap3A_384] {strides = array<i32>} : memref<320x128xf32, #tpu.memory_space<vmem>>, vector<16xf32>,
            tpu.vector_store %arg14[%swap3A_383, %swap3A_384], %min3A_382 {strides = array<i32>} : memref<320x128xf32, #tpu.memory_space<vmem>>, vector<16xf32>,
            %get3A_386 = arith.index_cast %squeeze3A : i32 to index
            %get3A_387 = arith.constant 96 : index
            %get3A_388 = tpu.vector_load %arg14[%get3A_386, %get3A_387] {strides = array<i32>} : memref<320x128xf32, #tpu.memory_space<vmem>>, vector<16xf32>,
            %get3A_389 = arith.index_cast %while3A_319 : i32 to index
            %get3A_390 = arith.constant 96 : index
            %get3A_391 = tpu.vector_load %arg13[%get3A_389, %get3A_390] {strides = array<i32>} : memref<64x128xf32, #tpu.memory_space<vmem>>, vector<16xf32>,
            %min3A_392 = arith.minimumf %get3A_388, %get3A_391 : vector<16xf32>
            %swap3A_393 = arith.index_cast %squeeze3A : i32 to index
            %swap3A_394 = arith.constant 96 : index
            %swap3A_395 = tpu.vector_load %arg14[%swap3A_393, %swap3A_394] {strides = array<i32>} : memref<320x128xf32, #tpu.memory_space<vmem>>, vector<16xf32>,
            tpu.vector_store %arg14[%swap3A_393, %swap3A_394], %min3A_392 {strides = array<i32>} : memref<320x128xf32, #tpu.memory_space<vmem>>, vector<16xf32>,
            %get3A_396 = arith.index_cast %squeeze3A : i32 to index
            %get3A_397 = arith.constant 112 : index
            %get3A_398 = tpu.vector_load %arg14[%get3A_396, %get3A_397] {strides = array<i32>} : memref<320x128xf32, #tpu.memory_space<vmem>>, vector<16xf32>,
            %get3A_399 = arith.index_cast %while3A_319 : i32 to index
            %get3A_400 = arith.constant 112 : index
            %get3A_401 = tpu.vector_load %arg13[%get3A_399, %get3A_400] {strides = array<i32>} : memref<64x128xf32, #tpu.memory_space<vmem>>, vector<16xf32>,
            %min3A_402 = arith.minimumf %get3A_398, %get3A_401 : vector<16xf32>
            %swap3A_403 = arith.index_cast %squeeze3A : i32 to index
            %swap3A_404 = arith.constant 112 : index
            %swap3A_405 = tpu.vector_load %arg14[%swap3A_403, %swap3A_404] {strides = array<i32>} : memref<320x128xf32, #tpu.memory_space<vmem>>, vector<16xf32>,
            tpu.vector_store %arg14[%swap3A_403, %swap3A_404], %min3A_402 {strides = array<i32>} : memref<320x128xf32, #tpu.memory_space<vmem>>, vector<16xf32>,
            %while3A_406 = arith.constant 0 : i32
            scf.yield %while3A_406 : i32
          }
          %while3A_316 = arith.constant 1 : i32
          %while3A_317 = scf.for %while3A_319 = %while3A_313 to %while3A_309 step %while3A_316 iter_args(%while3A_320 = %while3A_315) -> (i32)  : i32 {
            %mul3A_321 = arith.constant 64 : i32
            %mul3A_322 = arith.muli %while3A_288, %mul3A_321 : i32
            %add3A_323 = arith.addi %mul3A_322, %while3A_319 : i32
            %get3A_324 = arith.index_cast %add3A_323 : i32 to index
            %get3A_325 = tpu.vector_load %arg9[%get3A_324] {strides = array<i32>} : memref<4128xi32, #tpu.memory_space<vmem>>, vector<16xi32>,
            %slice3A = vector.extract_strided_slice %get3A_325 {offsets = [0], sizes = [1], strides = [1]} : vector<16xi32> to vector<1xi32>
            %squeeze3A = vector.extract %slice3A[0] : i32 from vector<1xi32>
            %get3A_326 = arith.index_cast %squeeze3A : i32 to index
            %get3A_327 = arith.constant 0 : index
            %get3A_328 = tpu.vector_load %arg14[%get3A_326, %get3A_327] {strides = array<i32>} : memref<320x128xf32, #tpu.memory_space<vmem>>, vector<16xf32>,
            %get3A_329 = arith.index_cast %while3A_319 : i32 to index
            %get3A_330 = arith.constant 0 : index
            %get3A_331 = tpu.vector_load %arg13[%get3A_329, %get3A_330] {strides = array<i32>} : memref<64x128xf32, #tpu.memory_space<vmem>>, vector<16xf32>,
            %min3A_332 = arith.minimumf %get3A_328, %get3A_331 : vector<16xf32>
            %swap3A_333 = arith.index_cast %squeeze3A : i32 to index
            %swap3A_334 = arith.constant 0 : index
            %swap3A_335 = tpu.vector_load %arg14[%swap3A_333, %swap3A_334] {strides = array<i32>} : memref<320x128xf32, #tpu.memory_space<vmem>>, vector<16xf32>,
            tpu.vector_store %arg14[%swap3A_333, %swap3A_334], %min3A_332 {strides = array<i32>} : memref<320x128xf32, #tpu.memory_space<vmem>>, vector<16xf32>,
            %get3A_336 = arith.index_cast %squeeze3A : i32 to index
            %get3A_337 = arith.constant 16 : index
            %get3A_338 = tpu.vector_load %arg14[%get3A_336, %get3A_337] {strides = array<i32>} : memref<320x128xf32, #tpu.memory_space<vmem>>, vector<16xf32>,
            %get3A_339 = arith.index_cast %while3A_319 : i32 to index
            %get3A_340 = arith.constant 16 : index
            %get3A_341 = tpu.vector_load %arg13[%get3A_339, %get3A_340] {strides = array<i32>} : memref<64x128xf32, #tpu.memory_space<vmem>>, vector<16xf32>,
            %min3A_342 = arith.minimumf %get3A_338, %get3A_341 : vector<16xf32>
            %swap3A_343 = arith.index_cast %squeeze3A : i32 to index
            %swap3A_344 = arith.constant 16 : index
            %swap3A_345 = tpu.vector_load %arg14[%swap3A_343, %swap3A_344] {strides = array<i32>} : memref<320x128xf32, #tpu.memory_space<vmem>>, vector<16xf32>,
            tpu.vector_store %arg14[%swap3A_343, %swap3A_344], %min3A_342 {strides = array<i32>} : memref<320x128xf32, #tpu.memory_space<vmem>>, vector<16xf32>,
            %get3A_346 = arith.index_cast %squeeze3A : i32 to index
            %get3A_347 = arith.constant 32 : index
            %get3A_348 = tpu.vector_load %arg14[%get3A_346, %get3A_347] {strides = array<i32>} : memref<320x128xf32, #tpu.memory_space<vmem>>, vector<16xf32>,
            %get3A_349 = arith.index_cast %while3A_319 : i32 to index
            %get3A_350 = arith.constant 32 : index
            %get3A_351 = tpu.vector_load %arg13[%get3A_349, %get3A_350] {strides = array<i32>} : memref<64x128xf32, #tpu.memory_space<vmem>>, vector<16xf32>,
            %min3A_352 = arith.minimumf %get3A_348, %get3A_351 : vector<16xf32>
            %swap3A_353 = arith.index_cast %squeeze3A : i32 to index
            %swap3A_354 = arith.constant 32 : index
            %swap3A_355 = tpu.vector_load %arg14[%swap3A_353, %swap3A_354] {strides = array<i32>} : memref<320x128xf32, #tpu.memory_space<vmem>>, vector<16xf32>,
            tpu.vector_store %arg14[%swap3A_353, %swap3A_354], %min3A_352 {strides = array<i32>} : memref<320x128xf32, #tpu.memory_space<vmem>>, vector<16xf32>,
            %get3A_356 = arith.index_cast %squeeze3A : i32 to index
            %get3A_357 = arith.constant 48 : index
            %get3A_358 = tpu.vector_load %arg14[%get3A_356, %get3A_357] {strides = array<i32>} : memref<320x128xf32, #tpu.memory_space<vmem>>, vector<16xf32>,
            %get3A_359 = arith.index_cast %while3A_319 : i32 to index
            %get3A_360 = arith.constant 48 : index
            %get3A_361 = tpu.vector_load %arg13[%get3A_359, %get3A_360] {strides = array<i32>} : memref<64x128xf32, #tpu.memory_space<vmem>>, vector<16xf32>,
            %min3A_362 = arith.minimumf %get3A_358, %get3A_361 : vector<16xf32>
            %swap3A_363 = arith.index_cast %squeeze3A : i32 to index
            %swap3A_364 = arith.constant 48 : index
            %swap3A_365 = tpu.vector_load %arg14[%swap3A_363, %swap3A_364] {strides = array<i32>} : memref<320x128xf32, #tpu.memory_space<vmem>>, vector<16xf32>,
            tpu.vector_store %arg14[%swap3A_363, %swap3A_364], %min3A_362 {strides = array<i32>} : memref<320x128xf32, #tpu.memory_space<vmem>>, vector<16xf32>,
            %get3A_366 = arith.index_cast %squeeze3A : i32 to index
            %get3A_367 = arith.constant 64 : index
            %get3A_368 = tpu.vector_load %arg14[%get3A_366, %get3A_367] {strides = array<i32>} : memref<320x128xf32, #tpu.memory_space<vmem>>, vector<16xf32>,
            %get3A_369 = arith.index_cast %while3A_319 : i32 to index
            %get3A_370 = arith.constant 64 : index
            %get3A_371 = tpu.vector_load %arg13[%get3A_369, %get3A_370] {strides = array<i32>} : memref<64x128xf32, #tpu.memory_space<vmem>>, vector<16xf32>,
            %min3A_372 = arith.minimumf %get3A_368, %get3A_371 : vector<16xf32>
            %swap3A_373 = arith.index_cast %squeeze3A : i32 to index
            %swap3A_374 = arith.constant 64 : index
            %swap3A_375 = tpu.vector_load %arg14[%swap3A_373, %swap3A_374] {strides = array<i32>} : memref<320x128xf32, #tpu.memory_space<vmem>>, vector<16xf32>,
            tpu.vector_store %arg14[%swap3A_373, %swap3A_374], %min3A_372 {strides = array<i32>} : memref<320x128xf32, #tpu.memory_space<vmem>>, vector<16xf32>,
            %get3A_376 = arith.index_cast %squeeze3A : i32 to index
            %get3A_377 = arith.constant 80 : index
            %get3A_378 = tpu.vector_load %arg14[%get3A_376, %get3A_377] {strides = array<i32>} : memref<320x128xf32, #tpu.memory_space<vmem>>, vector<16xf32>,
            %get3A_379 = arith.index_cast %while3A_319 : i32 to index
            %get3A_380 = arith.constant 80 : index
            %get3A_381 = tpu.vector_load %arg13[%get3A_379, %get3A_380] {strides = array<i32>} : memref<64x128xf32, #tpu.memory_space<vmem>>, vector<16xf32>,
            %min3A_382 = arith.minimumf %get3A_378, %get3A_381 : vector<16xf32>
            %swap3A_383 = arith.index_cast %squeeze3A : i32 to index
            %swap3A_384 = arith.constant 80 : index
            %swap3A_385 = tpu.vector_load %arg14[%swap3A_383, %swap3A_384] {strides = array<i32>} : memref<320x128xf32, #tpu.memory_space<vmem>>, vector<16xf32>,
            tpu.vector_store %arg14[%swap3A_383, %swap3A_384], %min3A_382 {strides = array<i32>} : memref<320x128xf32, #tpu.memory_space<vmem>>, vector<16xf32>,
            %get3A_386 = arith.index_cast %squeeze3A : i32 to index
            %get3A_387 = arith.constant 96 : index
            %get3A_388 = tpu.vector_load %arg14[%get3A_386, %get3A_387] {strides = array<i32>} : memref<320x128xf32, #tpu.memory_space<vmem>>, vector<16xf32>,
            %get3A_389 = arith.index_cast %while3A_319 : i32 to index
            %get3A_390 = arith.constant 96 : index
            %get3A_391 = tpu.vector_load %arg13[%get3A_389, %get3A_390] {strides = array<i32>} : memref<64x128xf32, #tpu.memory_space<vmem>>, vector<16xf32>,
            %min3A_392 = arith.minimumf %get3A_388, %get3A_391 : vector<16xf32>
            %swap3A_393 = arith.index_cast %squeeze3A : i32 to index
            %swap3A_394 = arith.constant 96 : index
            %swap3A_395 = tpu.vector_load %arg14[%swap3A_393, %swap3A_394] {strides = array<i32>} : memref<320x128xf32, #tpu.memory_space<vmem>>, vector<16xf32>,
            tpu.vector_store %arg14[%swap3A_393, %swap3A_394], %min3A_392 {strides = array<i32>} : memref<320x128xf32, #tpu.memory_space<vmem>>, vector<16xf32>,
            %get3A_396 = arith.index_cast %squeeze3A : i32 to index
            %get3A_397 = arith.constant 112 : index
            %get3A_398 = tpu.vector_load %arg14[%get3A_396, %get3A_397] {strides = array<i32>} : memref<320x128xf32, #tpu.memory_space<vmem>>, vector<16xf32>,
            %get3A_399 = arith.index_cast %while3A_319 : i32 to index
            %get3A_400 = arith.constant 112 : index
            %get3A_401 = tpu.vector_load %arg13[%get3A_399, %get3A_400] {strides = array<i32>} : memref<64x128xf32, #tpu.memory_space<vmem>>, vector<16xf32>,
            %min3A_402 = arith.minimumf %get3A_398, %get3A_401 : vector<16xf32>
            %swap3A_403 = arith.index_cast %squeeze3A : i32 to index
            %swap3A_404 = arith.constant 112 : index
            %swap3A_405 = tpu.vector_load %arg14[%swap3A_403, %swap3A_404] {strides = array<i32>} : memref<320x128xf32, #tpu.memory_space<vmem>>, vector<16xf32>,
            tpu.vector_store %arg14[%swap3A_403, %swap3A_404], %min3A_402 {strides = array<i32>} : memref<320x128xf32, #tpu.memory_space<vmem>>, vector<16xf32>,
            %while3A_406 = arith.constant 0 : i32
            scf.yield %while3A_406 : i32
          }
          %while3A_318 = arith.constant 0 : i32
          scf.yield %while3A_318 : i32
        }
        %while3A_286 = arith.constant 1 : i32
        %while3A_287 = scf.for %while3A_288 = %while3A_283 to %while3A_279 step %while3A_286 iter_args(%while3A_289 = %while3A_285) -> (i32)  : i32 {
          %mul3A_290 = arith.constant 64 : i32
          %mul3A_291 = arith.muli %while3A_288, %mul3A_290 : i32
          %dma_start3A_292 = tpu.memref_slice %arg8[%mul3A_291] : memref<4128xi32, #tpu.memory_space<vmem>> -> memref<64xi32, #tpu.memory_space<vmem>>
          %dma_start3A_293 = arith.constant 0 : i32
          %dma_start3A_294 = arith.constant 0 : i32
          %dma_start3A_295 = tpu.memref_slice %arg4[%dma_start3A_293, %dma_start3A_294] : memref<10000x128xf32, #tpu.memory_space<hbm>> -> memref<10000x128xf32, #tpu.memory_space<hbm>>
          tpu.enqueue_indirect_dma source(%dma_start3A_295 : memref<10000x128xf32, #tpu.memory_space<hbm>>) target(%arg13 : memref<64x128xf32, #tpu.memory_space<vmem>>) offsets(%dma_start3A_292 : memref<64xi32, #tpu.memory_space<vmem>>) semaphore(%arg16 : memref<!tpu.dma_semaphore, #tpu.memory_space<semaphore_mem>>)
          %dma_wait3A_296 = tpu.memref_slice %arg8[%mul3A_291] : memref<4128xi32, #tpu.memory_space<vmem>> -> memref<64xi32, #tpu.memory_space<vmem>>
          %dma_wait3A_297 = arith.constant 0 : i32
          %dma_wait3A_298 = arith.constant 0 : i32
          %dma_wait3A_299 = tpu.memref_slice %arg4[%dma_wait3A_297, %dma_wait3A_298] : memref<10000x128xf32, #tpu.memory_space<hbm>> -> memref<10000x128xf32, #tpu.memory_space<hbm>>
          tpu.wait_indirect_dma semaphore(%arg16 : memref<!tpu.dma_semaphore, #tpu.memory_space<semaphore_mem>>) src(%dma_wait3A_299 : memref<10000x128xf32, #tpu.memory_space<hbm>>) dst(%arg13 : memref<64x128xf32, #tpu.memory_space<vmem>>)
          %mul3A_300 = arith.constant 64 : i32
          %mul3A_301 = arith.muli %while3A_288, %mul3A_300 : i32
          %sub3A_302 = arith.subi %scan3A_130, %mul3A_301 : i32
          %jit3A_303 = arith.constant 0 : i32
          %jit3A_304 = arith.constant 64 : i32
          %max3A = arith.maxsi %jit3A_303, %sub3A_302 : i32
          %min3A_305 = arith.minsi %jit3A_304, %max3A : i32
          %while3A_306 = arith.constant 0 : i32
          %while3A_307 = arith.constant 0 : i32
          %while3A_308 = arith.subi %min3A_305, %while3A_306 : i32
          %while3A_309 = arith.addi %while3A_306, %while3A_308 : i32
          %while3A_310 = arith.constant 1 : i32
          %while3A_311 = arith.divsi %while3A_308, %while3A_310 : i32
          %while3A_312 = arith.muli %while3A_311, %while3A_310 : i32
          %while3A_313 = arith.addi %while3A_306, %while3A_312 : i32
          %while3A_314 = arith.constant 1 : i32
          %while3A_315 = scf.for %while3A_319 = %while3A_306 to %while3A_313 step %while3A_314 iter_args(%while3A_320 = %while3A_307) -> (i32)  : i32 {
            %mul3A_321 = arith.constant 64 : i32
            %mul3A_322 = arith.muli %while3A_288, %mul3A_321 : i32
            %add3A_323 = arith.addi %mul3A_322, %while3A_319 : i32
            %get3A_324 = arith.index_cast %add3A_323 : i32 to index
            %get3A_325 = tpu.vector_load %arg9[%get3A_324] {strides = array<i32>} : memref<4128xi32, #tpu.memory_space<vmem>>, vector<16xi32>,
            %slice3A = vector.extract_strided_slice %get3A_325 {offsets = [0], sizes = [1], strides = [1]} : vector<16xi32> to vector<1xi32>
            %squeeze3A = vector.extract %slice3A[0] : i32 from vector<1xi32>
            %get3A_326 = arith.index_cast %squeeze3A : i32 to index
            %get3A_327 = arith.constant 0 : index
            %get3A_328 = tpu.vector_load %arg14[%get3A_326, %get3A_327] {strides = array<i32>} : memref<320x128xf32, #tpu.memory_space<vmem>>, vector<16xf32>,
            %get3A_329 = arith.index_cast %while3A_319 : i32 to index
            %get3A_330 = arith.constant 0 : index
            %get3A_331 = tpu.vector_load %arg13[%get3A_329, %get3A_330] {strides = array<i32>} : memref<64x128xf32, #tpu.memory_space<vmem>>, vector<16xf32>,
            %min3A_332 = arith.minimumf %get3A_328, %get3A_331 : vector<16xf32>
            %swap3A_333 = arith.index_cast %squeeze3A : i32 to index
            %swap3A_334 = arith.constant 0 : index
            %swap3A_335 = tpu.vector_load %arg14[%swap3A_333, %swap3A_334] {strides = array<i32>} : memref<320x128xf32, #tpu.memory_space<vmem>>, vector<16xf32>,
            tpu.vector_store %arg14[%swap3A_333, %swap3A_334], %min3A_332 {strides = array<i32>} : memref<320x128xf32, #tpu.memory_space<vmem>>, vector<16xf32>,
            %get3A_336 = arith.index_cast %squeeze3A : i32 to index
            %get3A_337 = arith.constant 16 : index
            %get3A_338 = tpu.vector_load %arg14[%get3A_336, %get3A_337] {strides = array<i32>} : memref<320x128xf32, #tpu.memory_space<vmem>>, vector<16xf32>,
            %get3A_339 = arith.index_cast %while3A_319 : i32 to index
            %get3A_340 = arith.constant 16 : index
            %get3A_341 = tpu.vector_load %arg13[%get3A_339, %get3A_340] {strides = array<i32>} : memref<64x128xf32, #tpu.memory_space<vmem>>, vector<16xf32>,
            %min3A_342 = arith.minimumf %get3A_338, %get3A_341 : vector<16xf32>
            %swap3A_343 = arith.index_cast %squeeze3A : i32 to index
            %swap3A_344 = arith.constant 16 : index
            %swap3A_345 = tpu.vector_load %arg14[%swap3A_343, %swap3A_344] {strides = array<i32>} : memref<320x128xf32, #tpu.memory_space<vmem>>, vector<16xf32>,
            tpu.vector_store %arg14[%swap3A_343, %swap3A_344], %min3A_342 {strides = array<i32>} : memref<320x128xf32, #tpu.memory_space<vmem>>, vector<16xf32>,
            %get3A_346 = arith.index_cast %squeeze3A : i32 to index
            %get3A_347 = arith.constant 32 : index
            %get3A_348 = tpu.vector_load %arg14[%get3A_346, %get3A_347] {strides = array<i32>} : memref<320x128xf32, #tpu.memory_space<vmem>>, vector<16xf32>,
            %get3A_349 = arith.index_cast %while3A_319 : i32 to index
            %get3A_350 = arith.constant 32 : index
            %get3A_351 = tpu.vector_load %arg13[%get3A_349, %get3A_350] {strides = array<i32>} : memref<64x128xf32, #tpu.memory_space<vmem>>, vector<16xf32>,
            %min3A_352 = arith.minimumf %get3A_348, %get3A_351 : vector<16xf32>
            %swap3A_353 = arith.index_cast %squeeze3A : i32 to index
            %swap3A_354 = arith.constant 32 : index
            %swap3A_355 = tpu.vector_load %arg14[%swap3A_353, %swap3A_354] {strides = array<i32>} : memref<320x128xf32, #tpu.memory_space<vmem>>, vector<16xf32>,
            tpu.vector_store %arg14[%swap3A_353, %swap3A_354], %min3A_352 {strides = array<i32>} : memref<320x128xf32, #tpu.memory_space<vmem>>, vector<16xf32>,
            %get3A_356 = arith.index_cast %squeeze3A : i32 to index
            %get3A_357 = arith.constant 48 : index
            %get3A_358 = tpu.vector_load %arg14[%get3A_356, %get3A_357] {strides = array<i32>} : memref<320x128xf32, #tpu.memory_space<vmem>>, vector<16xf32>,
            %get3A_359 = arith.index_cast %while3A_319 : i32 to index
            %get3A_360 = arith.constant 48 : index
            %get3A_361 = tpu.vector_load %arg13[%get3A_359, %get3A_360] {strides = array<i32>} : memref<64x128xf32, #tpu.memory_space<vmem>>, vector<16xf32>,
            %min3A_362 = arith.minimumf %get3A_358, %get3A_361 : vector<16xf32>
            %swap3A_363 = arith.index_cast %squeeze3A : i32 to index
            %swap3A_364 = arith.constant 48 : index
            %swap3A_365 = tpu.vector_load %arg14[%swap3A_363, %swap3A_364] {strides = array<i32>} : memref<320x128xf32, #tpu.memory_space<vmem>>, vector<16xf32>,
            tpu.vector_store %arg14[%swap3A_363, %swap3A_364], %min3A_362 {strides = array<i32>} : memref<320x128xf32, #tpu.memory_space<vmem>>, vector<16xf32>,
            %get3A_366 = arith.index_cast %squeeze3A : i32 to index
            %get3A_367 = arith.constant 64 : index
            %get3A_368 = tpu.vector_load %arg14[%get3A_366, %get3A_367] {strides = array<i32>} : memref<320x128xf32, #tpu.memory_space<vmem>>, vector<16xf32>,
            %get3A_369 = arith.index_cast %while3A_319 : i32 to index
            %get3A_370 = arith.constant 64 : index
            %get3A_371 = tpu.vector_load %arg13[%get3A_369, %get3A_370] {strides = array<i32>} : memref<64x128xf32, #tpu.memory_space<vmem>>, vector<16xf32>,
            %min3A_372 = arith.minimumf %get3A_368, %get3A_371 : vector<16xf32>
            %swap3A_373 = arith.index_cast %squeeze3A : i32 to index
            %swap3A_374 = arith.constant 64 : index
            %swap3A_375 = tpu.vector_load %arg14[%swap3A_373, %swap3A_374] {strides = array<i32>} : memref<320x128xf32, #tpu.memory_space<vmem>>, vector<16xf32>,
            tpu.vector_store %arg14[%swap3A_373, %swap3A_374], %min3A_372 {strides = array<i32>} : memref<320x128xf32, #tpu.memory_space<vmem>>, vector<16xf32>,
            %get3A_376 = arith.index_cast %squeeze3A : i32 to index
            %get3A_377 = arith.constant 80 : index
            %get3A_378 = tpu.vector_load %arg14[%get3A_376, %get3A_377] {strides = array<i32>} : memref<320x128xf32, #tpu.memory_space<vmem>>, vector<16xf32>,
            %get3A_379 = arith.index_cast %while3A_319 : i32 to index
            %get3A_380 = arith.constant 80 : index
            %get3A_381 = tpu.vector_load %arg13[%get3A_379, %get3A_380] {strides = array<i32>} : memref<64x128xf32, #tpu.memory_space<vmem>>, vector<16xf32>,
            %min3A_382 = arith.minimumf %get3A_378, %get3A_381 : vector<16xf32>
            %swap3A_383 = arith.index_cast %squeeze3A : i32 to index
            %swap3A_384 = arith.constant 80 : index
            %swap3A_385 = tpu.vector_load %arg14[%swap3A_383, %swap3A_384] {strides = array<i32>} : memref<320x128xf32, #tpu.memory_space<vmem>>, vector<16xf32>,
            tpu.vector_store %arg14[%swap3A_383, %swap3A_384], %min3A_382 {strides = array<i32>} : memref<320x128xf32, #tpu.memory_space<vmem>>, vector<16xf32>,
            %get3A_386 = arith.index_cast %squeeze3A : i32 to index
            %get3A_387 = arith.constant 96 : index
            %get3A_388 = tpu.vector_load %arg14[%get3A_386, %get3A_387] {strides = array<i32>} : memref<320x128xf32, #tpu.memory_space<vmem>>, vector<16xf32>,
            %get3A_389 = arith.index_cast %while3A_319 : i32 to index
            %get3A_390 = arith.constant 96 : index
            %get3A_391 = tpu.vector_load %arg13[%get3A_389, %get3A_390] {strides = array<i32>} : memref<64x128xf32, #tpu.memory_space<vmem>>, vector<16xf32>,
            %min3A_392 = arith.minimumf %get3A_388, %get3A_391 : vector<16xf32>
            %swap3A_393 = arith.index_cast %squeeze3A : i32 to index
            %swap3A_394 = arith.constant 96 : index
            %swap3A_395 = tpu.vector_load %arg14[%swap3A_393, %swap3A_394] {strides = array<i32>} : memref<320x128xf32, #tpu.memory_space<vmem>>, vector<16xf32>,
            tpu.vector_store %arg14[%swap3A_393, %swap3A_394], %min3A_392 {strides = array<i32>} : memref<320x128xf32, #tpu.memory_space<vmem>>, vector<16xf32>,
            %get3A_396 = arith.index_cast %squeeze3A : i32 to index
            %get3A_397 = arith.constant 112 : index
            %get3A_398 = tpu.vector_load %arg14[%get3A_396, %get3A_397] {strides = array<i32>} : memref<320x128xf32, #tpu.memory_space<vmem>>, vector<16xf32>,
            %get3A_399 = arith.index_cast %while3A_319 : i32 to index
            %get3A_400 = arith.constant 112 : index
            %get3A_401 = tpu.vector_load %arg13[%get3A_399, %get3A_400] {strides = array<i32>} : memref<64x128xf32, #tpu.memory_space<vmem>>, vector<16xf32>,
            %min3A_402 = arith.minimumf %get3A_398, %get3A_401 : vector<16xf32>
            %swap3A_403 = arith.index_cast %squeeze3A : i32 to index
            %swap3A_404 = arith.constant 112 : index
            %swap3A_405 = tpu.vector_load %arg14[%swap3A_403, %swap3A_404] {strides = array<i32>} : memref<320x128xf32, #tpu.memory_space<vmem>>, vector<16xf32>,
            tpu.vector_store %arg14[%swap3A_403, %swap3A_404], %min3A_402 {strides = array<i32>} : memref<320x128xf32, #tpu.memory_space<vmem>>, vector<16xf32>,
            %while3A_406 = arith.constant 0 : i32
            scf.yield %while3A_406 : i32
          }
          %while3A_316 = arith.constant 1 : i32
          %while3A_317 = scf.for %while3A_319 = %while3A_313 to %while3A_309 step %while3A_316 iter_args(%while3A_320 = %while3A_315) -> (i32)  : i32 {
            %mul3A_321 = arith.constant 64 : i32
            %mul3A_322 = arith.muli %while3A_288, %mul3A_321 : i32
            %add3A_323 = arith.addi %mul3A_322, %while3A_319 : i32
            %get3A_324 = arith.index_cast %add3A_323 : i32 to index
            %get3A_325 = tpu.vector_load %arg9[%get3A_324] {strides = array<i32>} : memref<4128xi32, #tpu.memory_space<vmem>>, vector<16xi32>,
            %slice3A = vector.extract_strided_slice %get3A_325 {offsets = [0], sizes = [1], strides = [1]} : vector<16xi32> to vector<1xi32>
            %squeeze3A = vector.extract %slice3A[0] : i32 from vector<1xi32>
            %get3A_326 = arith.index_cast %squeeze3A : i32 to index
            %get3A_327 = arith.constant 0 : index
            %get3A_328 = tpu.vector_load %arg14[%get3A_326, %get3A_327] {strides = array<i32>} : memref<320x128xf32, #tpu.memory_space<vmem>>, vector<16xf32>,
            %get3A_329 = arith.index_cast %while3A_319 : i32 to index
            %get3A_330 = arith.constant 0 : index
            %get3A_331 = tpu.vector_load %arg13[%get3A_329, %get3A_330] {strides = array<i32>} : memref<64x128xf32, #tpu.memory_space<vmem>>, vector<16xf32>,
            %min3A_332 = arith.minimumf %get3A_328, %get3A_331 : vector<16xf32>
            %swap3A_333 = arith.index_cast %squeeze3A : i32 to index
            %swap3A_334 = arith.constant 0 : index
            %swap3A_335 = tpu.vector_load %arg14[%swap3A_333, %swap3A_334] {strides = array<i32>} : memref<320x128xf32, #tpu.memory_space<vmem>>, vector<16xf32>,
            tpu.vector_store %arg14[%swap3A_333, %swap3A_334], %min3A_332 {strides = array<i32>} : memref<320x128xf32, #tpu.memory_space<vmem>>, vector<16xf32>,
            %get3A_336 = arith.index_cast %squeeze3A : i32 to index
            %get3A_337 = arith.constant 16 : index
            %get3A_338 = tpu.vector_load %arg14[%get3A_336, %get3A_337] {strides = array<i32>} : memref<320x128xf32, #tpu.memory_space<vmem>>, vector<16xf32>,
            %get3A_339 = arith.index_cast %while3A_319 : i32 to index
            %get3A_340 = arith.constant 16 : index
            %get3A_341 = tpu.vector_load %arg13[%get3A_339, %get3A_340] {strides = array<i32>} : memref<64x128xf32, #tpu.memory_space<vmem>>, vector<16xf32>,
            %min3A_342 = arith.minimumf %get3A_338, %get3A_341 : vector<16xf32>
            %swap3A_343 = arith.index_cast %squeeze3A : i32 to index
            %swap3A_344 = arith.constant 16 : index
            %swap3A_345 = tpu.vector_load %arg14[%swap3A_343, %swap3A_344] {strides = array<i32>} : memref<320x128xf32, #tpu.memory_space<vmem>>, vector<16xf32>,
            tpu.vector_store %arg14[%swap3A_343, %swap3A_344], %min3A_342 {strides = array<i32>} : memref<320x128xf32, #tpu.memory_space<vmem>>, vector<16xf32>,
            %get3A_346 = arith.index_cast %squeeze3A : i32 to index
            %get3A_347 = arith.constant 32 : index
            %get3A_348 = tpu.vector_load %arg14[%get3A_346, %get3A_347] {strides = array<i32>} : memref<320x128xf32, #tpu.memory_space<vmem>>, vector<16xf32>,
            %get3A_349 = arith.index_cast %while3A_319 : i32 to index
            %get3A_350 = arith.constant 32 : index
            %get3A_351 = tpu.vector_load %arg13[%get3A_349, %get3A_350] {strides = array<i32>} : memref<64x128xf32, #tpu.memory_space<vmem>>, vector<16xf32>,
            %min3A_352 = arith.minimumf %get3A_348, %get3A_351 : vector<16xf32>
            %swap3A_353 = arith.index_cast %squeeze3A : i32 to index
            %swap3A_354 = arith.constant 32 : index
            %swap3A_355 = tpu.vector_load %arg14[%swap3A_353, %swap3A_354] {strides = array<i32>} : memref<320x128xf32, #tpu.memory_space<vmem>>, vector<16xf32>,
            tpu.vector_store %arg14[%swap3A_353, %swap3A_354], %min3A_352 {strides = array<i32>} : memref<320x128xf32, #tpu.memory_space<vmem>>, vector<16xf32>,
            %get3A_356 = arith.index_cast %squeeze3A : i32 to index
            %get3A_357 = arith.constant 48 : index
            %get3A_358 = tpu.vector_load %arg14[%get3A_356, %get3A_357] {strides = array<i32>} : memref<320x128xf32, #tpu.memory_space<vmem>>, vector<16xf32>,
            %get3A_359 = arith.index_cast %while3A_319 : i32 to index
            %get3A_360 = arith.constant 48 : index
            %get3A_361 = tpu.vector_load %arg13[%get3A_359, %get3A_360] {strides = array<i32>} : memref<64x128xf32, #tpu.memory_space<vmem>>, vector<16xf32>,
            %min3A_362 = arith.minimumf %get3A_358, %get3A_361 : vector<16xf32>
            %swap3A_363 = arith.index_cast %squeeze3A : i32 to index
            %swap3A_364 = arith.constant 48 : index
            %swap3A_365 = tpu.vector_load %arg14[%swap3A_363, %swap3A_364] {strides = array<i32>} : memref<320x128xf32, #tpu.memory_space<vmem>>, vector<16xf32>,
            tpu.vector_store %arg14[%swap3A_363, %swap3A_364], %min3A_362 {strides = array<i32>} : memref<320x128xf32, #tpu.memory_space<vmem>>, vector<16xf32>,
            %get3A_366 = arith.index_cast %squeeze3A : i32 to index
            %get3A_367 = arith.constant 64 : index
            %get3A_368 = tpu.vector_load %arg14[%get3A_366, %get3A_367] {strides = array<i32>} : memref<320x128xf32, #tpu.memory_space<vmem>>, vector<16xf32>,
            %get3A_369 = arith.index_cast %while3A_319 : i32 to index
            %get3A_370 = arith.constant 64 : index
            %get3A_371 = tpu.vector_load %arg13[%get3A_369, %get3A_370] {strides = array<i32>} : memref<64x128xf32, #tpu.memory_space<vmem>>, vector<16xf32>,
            %min3A_372 = arith.minimumf %get3A_368, %get3A_371 : vector<16xf32>
            %swap3A_373 = arith.index_cast %squeeze3A : i32 to index
            %swap3A_374 = arith.constant 64 : index
            %swap3A_375 = tpu.vector_load %arg14[%swap3A_373, %swap3A_374] {strides = array<i32>} : memref<320x128xf32, #tpu.memory_space<vmem>>, vector<16xf32>,
            tpu.vector_store %arg14[%swap3A_373, %swap3A_374], %min3A_372 {strides = array<i32>} : memref<320x128xf32, #tpu.memory_space<vmem>>, vector<16xf32>,
            %get3A_376 = arith.index_cast %squeeze3A : i32 to index
            %get3A_377 = arith.constant 80 : index
            %get3A_378 = tpu.vector_load %arg14[%get3A_376, %get3A_377] {strides = array<i32>} : memref<320x128xf32, #tpu.memory_space<vmem>>, vector<16xf32>,
            %get3A_379 = arith.index_cast %while3A_319 : i32 to index
            %get3A_380 = arith.constant 80 : index
            %get3A_381 = tpu.vector_load %arg13[%get3A_379, %get3A_380] {strides = array<i32>} : memref<64x128xf32, #tpu.memory_space<vmem>>, vector<16xf32>,
            %min3A_382 = arith.minimumf %get3A_378, %get3A_381 : vector<16xf32>
            %swap3A_383 = arith.index_cast %squeeze3A : i32 to index
            %swap3A_384 = arith.constant 80 : index
            %swap3A_385 = tpu.vector_load %arg14[%swap3A_383, %swap3A_384] {strides = array<i32>} : memref<320x128xf32, #tpu.memory_space<vmem>>, vector<16xf32>,
            tpu.vector_store %arg14[%swap3A_383, %swap3A_384], %min3A_382 {strides = array<i32>} : memref<320x128xf32, #tpu.memory_space<vmem>>, vector<16xf32>,
            %get3A_386 = arith.index_cast %squeeze3A : i32 to index
            %get3A_387 = arith.constant 96 : index
            %get3A_388 = tpu.vector_load %arg14[%get3A_386, %get3A_387] {strides = array<i32>} : memref<320x128xf32, #tpu.memory_space<vmem>>, vector<16xf32>,
            %get3A_389 = arith.index_cast %while3A_319 : i32 to index
            %get3A_390 = arith.constant 96 : index
            %get3A_391 = tpu.vector_load %arg13[%get3A_389, %get3A_390] {strides = array<i32>} : memref<64x128xf32, #tpu.memory_space<vmem>>, vector<16xf32>,
            %min3A_392 = arith.minimumf %get3A_388, %get3A_391 : vector<16xf32>
            %swap3A_393 = arith.index_cast %squeeze3A : i32 to index
            %swap3A_394 = arith.constant 96 : index
            %swap3A_395 = tpu.vector_load %arg14[%swap3A_393, %swap3A_394] {strides = array<i32>} : memref<320x128xf32, #tpu.memory_space<vmem>>, vector<16xf32>,
            tpu.vector_store %arg14[%swap3A_393, %swap3A_394], %min3A_392 {strides = array<i32>} : memref<320x128xf32, #tpu.memory_space<vmem>>, vector<16xf32>,
            %get3A_396 = arith.index_cast %squeeze3A : i32 to index
            %get3A_397 = arith.constant 112 : index
            %get3A_398 = tpu.vector_load %arg14[%get3A_396, %get3A_397] {strides = array<i32>} : memref<320x128xf32, #tpu.memory_space<vmem>>, vector<16xf32>,
            %get3A_399 = arith.index_cast %while3A_319 : i32 to index
            %get3A_400 = arith.constant 112 : index
            %get3A_401 = tpu.vector_load %arg13[%get3A_399, %get3A_400] {strides = array<i32>} : memref<64x128xf32, #tpu.memory_space<vmem>>, vector<16xf32>,
            %min3A_402 = arith.minimumf %get3A_398, %get3A_401 : vector<16xf32>
            %swap3A_403 = arith.index_cast %squeeze3A : i32 to index
            %swap3A_404 = arith.constant 112 : index
            %swap3A_405 = tpu.vector_load %arg14[%swap3A_403, %swap3A_404] {strides = array<i32>} : memref<320x128xf32, #tpu.memory_space<vmem>>, vector<16xf32>,
            tpu.vector_store %arg14[%swap3A_403, %swap3A_404], %min3A_402 {strides = array<i32>} : memref<320x128xf32, #tpu.memory_space<vmem>>, vector<16xf32>,
            %while3A_406 = arith.constant 0 : i32
            scf.yield %while3A_406 : i32
          }
          %while3A_318 = arith.constant 0 : i32
          scf.yield %while3A_318 : i32
        }
      } else {
      }
      %gt3A_151 = arith.constant 2032 : i32
      %gt3A_152 = arith.cmpi sgt, %scan3A_130, %gt3A_151 : i32
      %jit3A_153 = arith.constant 0 : i32
      %select_n3A_154 = arith.select %gt3A_152, %jit3A_153, %scan3A_130 : i32
      %get3A = arith.constant 0 : index
      %get3A_155 = tpu.vector_load %arg8[%get3A] {strides = array<i32>} : memref<4128xi32, #tpu.memory_space<vmem>>, vector<16xi32>,
      %swap3A_156 = arith.constant 0 : index
      %swap3A_157 = tpu.vector_load %arg10[%swap3A_156] {strides = array<i32>} : memref<80xi32, #tpu.memory_space<vmem>>, vector<16xi32>,
      tpu.vector_store %arg10[%swap3A_156], %get3A_155 {strides = array<i32>} : memref<80xi32, #tpu.memory_space<vmem>>, vector<16xi32>,
      %get3A_158 = arith.constant 0 : index
      %get3A_159 = tpu.vector_load %arg9[%get3A_158] {strides = array<i32>} : memref<4128xi32, #tpu.memory_space<vmem>>, vector<16xi32>,
      %swap3A_160 = arith.constant 0 : index
      %swap3A_161 = tpu.vector_load %arg11[%swap3A_160] {strides = array<i32>} : memref<80xi32, #tpu.memory_space<vmem>>, vector<16xi32>,
      tpu.vector_store %arg11[%swap3A_160], %get3A_159 {strides = array<i32>} : memref<80xi32, #tpu.memory_space<vmem>>, vector<16xi32>,
      %get3A_162 = arith.constant 16 : index
      %get3A_163 = tpu.vector_load %arg8[%get3A_162] {strides = array<i32>} : memref<4128xi32, #tpu.memory_space<vmem>>, vector<16xi32>,
      %swap3A_164 = arith.constant 16 : index
      %swap3A_165 = tpu.vector_load %arg10[%swap3A_164] {strides = array<i32>} : memref<80xi32, #tpu.memory_space<vmem>>, vector<16xi32>,
      tpu.vector_store %arg10[%swap3A_164], %get3A_163 {strides = array<i32>} : memref<80xi32, #tpu.memory_space<vmem>>, vector<16xi32>,
      %get3A_166 = arith.constant 16 : index
      %get3A_167 = tpu.vector_load %arg9[%get3A_166] {strides = array<i32>} : memref<4128xi32, #tpu.memory_space<vmem>>, vector<16xi32>,
      %swap3A_168 = arith.constant 16 : index
      %swap3A_169 = tpu.vector_load %arg11[%swap3A_168] {strides = array<i32>} : memref<80xi32, #tpu.memory_space<vmem>>, vector<16xi32>,
      tpu.vector_store %arg11[%swap3A_168], %get3A_167 {strides = array<i32>} : memref<80xi32, #tpu.memory_space<vmem>>, vector<16xi32>,
      %get3A_170 = arith.constant 32 : index
      %get3A_171 = tpu.vector_load %arg8[%get3A_170] {strides = array<i32>} : memref<4128xi32, #tpu.memory_space<vmem>>, vector<16xi32>,
      %swap3A_172 = arith.constant 32 : index
      %swap3A_173 = tpu.vector_load %arg10[%swap3A_172] {strides = array<i32>} : memref<80xi32, #tpu.memory_space<vmem>>, vector<16xi32>,
      tpu.vector_store %arg10[%swap3A_172], %get3A_171 {strides = array<i32>} : memref<80xi32, #tpu.memory_space<vmem>>, vector<16xi32>,
      %get3A_174 = arith.constant 32 : index
      %get3A_175 = tpu.vector_load %arg9[%get3A_174] {strides = array<i32>} : memref<4128xi32, #tpu.memory_space<vmem>>, vector<16xi32>,
      %swap3A_176 = arith.constant 32 : index
      %swap3A_177 = tpu.vector_load %arg11[%swap3A_176] {strides = array<i32>} : memref<80xi32, #tpu.memory_space<vmem>>, vector<16xi32>,
      tpu.vector_store %arg11[%swap3A_176], %get3A_175 {strides = array<i32>} : memref<80xi32, #tpu.memory_space<vmem>>, vector<16xi32>,
      %get3A_178 = arith.constant 48 : index
      %get3A_179 = tpu.vector_load %arg8[%get3A_178] {strides = array<i32>} : memref<4128xi32, #tpu.memory_space<vmem>>, vector<16xi32>,
      %swap3A_180 = arith.constant 48 : index
      %swap3A_181 = tpu.vector_load %arg10[%swap3A_180] {strides = array<i32>} : memref<80xi32, #tpu.memory_space<vmem>>, vector<16xi32>,
      tpu.vector_store %arg10[%swap3A_180], %get3A_179 {strides = array<i32>} : memref<80xi32, #tpu.memory_space<vmem>>, vector<16xi32>,
      %get3A_182 = arith.constant 48 : index
      %get3A_183 = tpu.vector_load %arg9[%get3A_182] {strides = array<i32>} : memref<4128xi32, #tpu.memory_space<vmem>>, vector<16xi32>,
      %swap3A_184 = arith.constant 48 : index
      %swap3A_185 = tpu.vector_load %arg11[%swap3A_184] {strides = array<i32>} : memref<80xi32, #tpu.memory_space<vmem>>, vector<16xi32>,
      tpu.vector_store %arg11[%swap3A_184], %get3A_183 {strides = array<i32>} : memref<80xi32, #tpu.memory_space<vmem>>, vector<16xi32>,
      %dma_start3A_186 = arith.constant 0 : i32
      %dma_start3A_187 = tpu.memref_slice %arg10[%dma_start3A_186] : memref<80xi32, #tpu.memory_space<vmem>> -> memref<64xi32, #tpu.memory_space<vmem>>
      %dma_start3A_188 = arith.constant 0 : i32
      %dma_start3A_189 = arith.constant 0 : i32
      %dma_start3A_190 = tpu.memref_slice %arg4[%dma_start3A_188, %dma_start3A_189] : memref<10000x128xf32, #tpu.memory_space<hbm>> -> memref<10000x128xf32, #tpu.memory_space<hbm>>
      tpu.enqueue_indirect_dma source(%dma_start3A_190 : memref<10000x128xf32, #tpu.memory_space<hbm>>) target(%arg12 : memref<64x128xf32, #tpu.memory_space<vmem>>) offsets(%dma_start3A_187 : memref<64xi32, #tpu.memory_space<vmem>>) semaphore(%arg15 : memref<!tpu.dma_semaphore, #tpu.memory_space<semaphore_mem>>)
      %add3A_191 = arith.constant 1 : i32
      %add3A_192 = arith.addi %scan3A_115, %add3A_191 : i32
      %lt3A = arith.constant 160 : i32
      %lt3A_193 = arith.cmpi slt, %add3A_192, %lt3A : i32
      %add3A_194 = arith.constant 1 : i32
      %add3A_195 = arith.addi %scan3A_115, %add3A_194 : i32
      %jit3A_196 = arith.constant 0 : i32
      %select_n3A_197 = arith.select %lt3A_193, %add3A_195, %jit3A_196 : i32
      %mul3A_198 = arith.constant 2000 : i32
      %mul3A_199 = arith.muli %select_n3A_197, %mul3A_198 : i32
      %dma_start3A_200 = tpu.memref_slice %arg3[%mul3A_199] : memref<320000xi32, #tpu.memory_space<hbm>> -> memref<2000xi32, #tpu.memory_space<hbm>>
      %dma_start3A_201 = tpu.memref_slice %arg3[%mul3A_199] : memref<320000xi32, #tpu.memory_space<hbm>> -> memref<2000xi32, #tpu.memory_space<hbm>>
      tpu.enqueue_dma source(%dma_start3A_201 : memref<2000xi32, #tpu.memory_space<hbm>>) target(%arg6 : memref<2000xi32, #tpu.memory_space<vmem>>) target_semaphore(%arg17 : memref<!tpu.dma_semaphore, #tpu.memory_space<semaphore_mem>>)
      %mul3A_202 = arith.constant 2000 : i32
      %mul3A_203 = arith.muli %select_n3A_197, %mul3A_202 : i32
      %dma_start3A_204 = tpu.memref_slice %arg2[%mul3A_203] : memref<320000xi32, #tpu.memory_space<hbm>> -> memref<2000xi32, #tpu.memory_space<hbm>>
      %dma_start3A_205 = tpu.memref_slice %arg2[%mul3A_203] : memref<320000xi32, #tpu.memory_space<hbm>> -> memref<2000xi32, #tpu.memory_space<hbm>>
      tpu.enqueue_dma source(%dma_start3A_205 : memref<2000xi32, #tpu.memory_space<hbm>>) target(%arg7 : memref<2000xi32, #tpu.memory_space<vmem>>) target_semaphore(%arg17 : memref<!tpu.dma_semaphore, #tpu.memory_space<semaphore_mem>>)
      %min3A = arith.constant 64 : i32
      %min3A_206 = arith.minsi %select_n3A_154, %min3A : i32
      %sub3A_207 = arith.subi %select_n3A_154, %min3A_206 : i32
      %add3A_208 = arith.constant 16 : i32
      %add3A_209 = arith.addi %sub3A_207, %add3A_208 : i32
      %sub3A_210 = arith.constant 1 : i32
      %sub3A_211 = arith.subi %add3A_209, %sub3A_210 : i32
      %jit3A_212 = arith.constant 16 : i32
      %div3A_213 = arith.divsi %sub3A_211, %jit3A_212 : i32
      %sign3A_214 = arith.constant 0 : i32
      %sign3A_215 = arith.cmpi sgt, %sub3A_211, %sign3A_214 : i32
      %sign3A_216 = arith.extui %sign3A_215 : i1 to i32
      %sign3A_217 = arith.constant 0 : i32
      %sign3A_218 = arith.cmpi slt, %sub3A_211, %sign3A_217 : i32
      %sign3A_219 = arith.extui %sign3A_218 : i1 to i32
      %sign3A_220 = arith.subi %sign3A_216, %sign3A_219 : i32
      %sign3A_221 = arith.constant 0 : i32
      %sign3A_222 = arith.cmpi sgt, %jit3A_212, %sign3A_221 : i32
      %sign3A_223 = arith.extui %sign3A_222 : i1 to i32
      %sign3A_224 = arith.constant 0 : i32
      %sign3A_225 = arith.cmpi slt, %jit3A_212, %sign3A_224 : i32
      %sign3A_226 = arith.extui %sign3A_225 : i1 to i32
      %sign3A_227 = arith.subi %sign3A_223, %sign3A_226 : i32
      %ne3A_228 = arith.cmpi ne, %sign3A_220, %sign3A_227 : i32
      %rem3A_229 = arith.remsi %sub3A_211, %jit3A_212 : i32
      %ne3A_230 = arith.constant 0 : i32
      %ne3A_231 = arith.cmpi ne, %rem3A_229, %ne3A_230 : i32
      %and3A_232 = arith.andi %ne3A_228, %ne3A_231 : i1
      %sub3A_233 = arith.constant 1 : i32
      %sub3A_234 = arith.subi %div3A_213, %sub3A_233 : i32
      %select_n3A_235 = arith.select %and3A_232, %sub3A_234, %div3A_213 : i32
      %while3A_236 = arith.constant 0 : i32
      %while3A_237 = arith.constant 0 : i32
      %while3A_238 = arith.subi %select_n3A_235, %while3A_236 : i32
      %while3A_239 = arith.addi %while3A_236, %while3A_238 : i32
      %while3A_240 = arith.constant 1 : i32
      %while3A_241 = arith.divsi %while3A_238, %while3A_240 : i32
      %while3A_242 = arith.muli %while3A_241, %while3A_240 : i32
      %while3A_243 = arith.addi %while3A_236, %while3A_242 : i32
      %while3A_244 = arith.constant 1 : i32
      %while3A_245 = scf.for %while3A_248 = %while3A_236 to %while3A_243 step %while3A_244 iter_args(%while3A_249 = %while3A_237) -> (i32)  : i32 {
        %mul3A_250 = arith.constant 16 : i32
        %mul3A_251 = arith.muli %while3A_248, %mul3A_250 : i32
        %add3A_252 = arith.constant 64 : i32
        %add3A_253 = arith.addi %add3A_252, %mul3A_251 : i32
        %get3A_254 = arith.index_cast %add3A_253 : i32 to index
        %get3A_255 = tpu.vector_load %arg8[%get3A_254] {strides = array<i32>} : memref<4128xi32, #tpu.memory_space<vmem>>, vector<16xi32>,
        %mul3A_256 = arith.constant 16 : i32
        %mul3A_257 = arith.muli %while3A_248, %mul3A_256 : i32
        %swap3A_258 = arith.index_cast %mul3A_257 : i32 to index
        %swap3A_259 = tpu.vector_load %arg8[%swap3A_258] {strides = array<i32>} : memref<4128xi32, #tpu.memory_space<vmem>>, vector<16xi32>,
        tpu.vector_store %arg8[%swap3A_258], %get3A_255 {strides = array<i32>} : memref<4128xi32, #tpu.memory_space<vmem>>, vector<16xi32>,
        %mul3A_260 = arith.constant 16 : i32
        %mul3A_261 = arith.muli %while3A_248, %mul3A_260 : i32
        %add3A_262 = arith.constant 64 : i32
        %add3A_263 = arith.addi %add3A_262, %mul3A_261 : i32
        %get3A_264 = arith.index_cast %add3A_263 : i32 to index
        %get3A_265 = tpu.vector_load %arg9[%get3A_264] {strides = array<i32>} : memref<4128xi32, #tpu.memory_space<vmem>>, vector<16xi32>,
        %mul3A_266 = arith.constant 16 : i32
        %mul3A_267 = arith.muli %while3A_248, %mul3A_266 : i32
        %swap3A_268 = arith.index_cast %mul3A_267 : i32 to index
        %swap3A_269 = tpu.vector_load %arg9[%swap3A_268] {strides = array<i32>} : memref<4128xi32, #tpu.memory_space<vmem>>, vector<16xi32>,
        tpu.vector_store %arg9[%swap3A_268], %get3A_265 {strides = array<i32>} : memref<4128xi32, #tpu.memory_space<vmem>>, vector<16xi32>,
        %while3A_270 = arith.constant 0 : i32
        scf.yield %while3A_270 : i32
      }
      %while3A_246 = arith.constant 1 : i32
      %while3A_247 = scf.for %while3A_248 = %while3A_243 to %while3A_239 step %while3A_246 iter_args(%while3A_249 = %while3A_245) -> (i32)  : i32 {
        %mul3A_250 = arith.constant 16 : i32
        %mul3A_251 = arith.muli %while3A_248, %mul3A_250 : i32
        %add3A_252 = arith.constant 64 : i32
        %add3A_253 = arith.addi %add3A_252, %mul3A_251 : i32
        %get3A_254 = arith.index_cast %add3A_253 : i32 to index
        %get3A_255 = tpu.vector_load %arg8[%get3A_254] {strides = array<i32>} : memref<4128xi32, #tpu.memory_space<vmem>>, vector<16xi32>,
        %mul3A_256 = arith.constant 16 : i32
        %mul3A_257 = arith.muli %while3A_248, %mul3A_256 : i32
        %swap3A_258 = arith.index_cast %mul3A_257 : i32 to index
        %swap3A_259 = tpu.vector_load %arg8[%swap3A_258] {strides = array<i32>} : memref<4128xi32, #tpu.memory_space<vmem>>, vector<16xi32>,
        tpu.vector_store %arg8[%swap3A_258], %get3A_255 {strides = array<i32>} : memref<4128xi32, #tpu.memory_space<vmem>>, vector<16xi32>,
        %mul3A_260 = arith.constant 16 : i32
        %mul3A_261 = arith.muli %while3A_248, %mul3A_260 : i32
        %add3A_262 = arith.constant 64 : i32
        %add3A_263 = arith.addi %add3A_262, %mul3A_261 : i32
        %get3A_264 = arith.index_cast %add3A_263 : i32 to index
        %get3A_265 = tpu.vector_load %arg9[%get3A_264] {strides = array<i32>} : memref<4128xi32, #tpu.memory_space<vmem>>, vector<16xi32>,
        %mul3A_266 = arith.constant 16 : i32
        %mul3A_267 = arith.muli %while3A_248, %mul3A_266 : i32
        %swap3A_268 = arith.index_cast %mul3A_267 : i32 to index
        %swap3A_269 = tpu.vector_load %arg9[%swap3A_268] {strides = array<i32>} : memref<4128xi32, #tpu.memory_space<vmem>>, vector<16xi32>,
        tpu.vector_store %arg9[%swap3A_268], %get3A_265 {strides = array<i32>} : memref<4128xi32, #tpu.memory_space<vmem>>, vector<16xi32>,
        %while3A_270 = arith.constant 0 : i32
        scf.yield %while3A_270 : i32
      }
      scf.yield %sub3A_207, %min3A_206 : i32, i32
    }
    %scan3A_57 = arith.constant 160 : i32
    %dma_wait3A = arith.constant 0 : i32
    %dma_wait3A_58 = tpu.memref_slice %arg3[%dma_wait3A] : memref<320000xi32, #tpu.memory_space<hbm>> -> memref<2000xi32, #tpu.memory_space<hbm>>
    %dma_wait3A_59 = arith.constant 0 : i32
    %dma_wait3A_60 = tpu.memref_slice %arg3[%dma_wait3A_59] : memref<320000xi32, #tpu.memory_space<hbm>> -> memref<2000xi32, #tpu.memory_space<hbm>>
    tpu.wait_dma2 semaphore(%arg17 : memref<!tpu.dma_semaphore, #tpu.memory_space<semaphore_mem>>) src(%dma_wait3A_60 : memref<2000xi32, #tpu.memory_space<hbm>>) dst(%arg6 : memref<2000xi32, #tpu.memory_space<vmem>>)
    %dma_wait3A_61 = arith.constant 0 : i32
    %dma_wait3A_62 = tpu.memref_slice %arg2[%dma_wait3A_61] : memref<320000xi32, #tpu.memory_space<hbm>> -> memref<2000xi32, #tpu.memory_space<hbm>>
    %dma_wait3A_63 = arith.constant 0 : i32
    %dma_wait3A_64 = tpu.memref_slice %arg2[%dma_wait3A_63] : memref<320000xi32, #tpu.memory_space<hbm>> -> memref<2000xi32, #tpu.memory_space<hbm>>
    tpu.wait_dma2 semaphore(%arg17 : memref<!tpu.dma_semaphore, #tpu.memory_space<semaphore_mem>>) src(%dma_wait3A_64 : memref<2000xi32, #tpu.memory_space<hbm>>) dst(%arg7 : memref<2000xi32, #tpu.memory_space<vmem>>)
    %dma_wait3A_65 = arith.constant 0 : i32
    %dma_wait3A_66 = tpu.memref_slice %arg10[%dma_wait3A_65] : memref<80xi32, #tpu.memory_space<vmem>> -> memref<64xi32, #tpu.memory_space<vmem>>
    %dma_wait3A_67 = arith.constant 0 : i32
    %dma_wait3A_68 = arith.constant 0 : i32
    %dma_wait3A_69 = tpu.memref_slice %arg4[%dma_wait3A_67, %dma_wait3A_68] : memref<10000x128xf32, #tpu.memory_space<hbm>> -> memref<10000x128xf32, #tpu.memory_space<hbm>>
    tpu.wait_indirect_dma semaphore(%arg15 : memref<!tpu.dma_semaphore, #tpu.memory_space<semaphore_mem>>) src(%dma_wait3A_69 : memref<10000x128xf32, #tpu.memory_space<hbm>>) dst(%arg12 : memref<64x128xf32, #tpu.memory_space<vmem>>)
    %while3A = arith.constant 0 : i32
    %while3A_70 = arith.constant 0 : i32
    %while3A_71 = arith.subi %scan3A_56#1, %while3A : i32
    %while3A_72 = arith.addi %while3A, %while3A_71 : i32
    %while3A_73 = arith.constant 1 : i32
    %while3A_74 = arith.divsi %while3A_71, %while3A_73 : i32
    %while3A_75 = arith.muli %while3A_74, %while3A_73 : i32
    %while3A_76 = arith.addi %while3A, %while3A_75 : i32
    %while3A_77 = arith.constant 1 : i32
    %while3A_78 = scf.for %while3A_115 = %while3A to %while3A_76 step %while3A_77 iter_args(%while3A_116 = %while3A_70) -> (i32)  : i32 {
      %get3A = arith.index_cast %while3A_115 : i32 to index
      %get3A_117 = tpu.vector_load %arg11[%get3A] {strides = array<i32>} : memref<80xi32, #tpu.memory_space<vmem>>, vector<16xi32>,
      %slice3A = vector.extract_strided_slice %get3A_117 {offsets = [0], sizes = [1], strides = [1]} : vector<16xi32> to vector<1xi32>
      %squeeze3A = vector.extract %slice3A[0] : i32 from vector<1xi32>
      %get3A_118 = arith.index_cast %squeeze3A : i32 to index
      %get3A_119 = arith.constant 0 : index
      %get3A_120 = tpu.vector_load %arg14[%get3A_118, %get3A_119] {strides = array<i32>} : memref<320x128xf32, #tpu.memory_space<vmem>>, vector<16xf32>,
      %get3A_121 = arith.index_cast %while3A_115 : i32 to index
      %get3A_122 = arith.constant 0 : index
      %get3A_123 = tpu.vector_load %arg12[%get3A_121, %get3A_122] {strides = array<i32>} : memref<64x128xf32, #tpu.memory_space<vmem>>, vector<16xf32>,
      %min3A = arith.minimumf %get3A_120, %get3A_123 : vector<16xf32>
      %swap3A_124 = arith.index_cast %squeeze3A : i32 to index
      %swap3A_125 = arith.constant 0 : index
      %swap3A_126 = tpu.vector_load %arg14[%swap3A_124, %swap3A_125] {strides = array<i32>} : memref<320x128xf32, #tpu.memory_space<vmem>>, vector<16xf32>,
      tpu.vector_store %arg14[%swap3A_124, %swap3A_125], %min3A {strides = array<i32>} : memref<320x128xf32, #tpu.memory_space<vmem>>, vector<16xf32>,
      %get3A_127 = arith.index_cast %squeeze3A : i32 to index
      %get3A_128 = arith.constant 16 : index
      %get3A_129 = tpu.vector_load %arg14[%get3A_127, %get3A_128] {strides = array<i32>} : memref<320x128xf32, #tpu.memory_space<vmem>>, vector<16xf32>,
      %get3A_130 = arith.index_cast %while3A_115 : i32 to index
      %get3A_131 = arith.constant 16 : index
      %get3A_132 = tpu.vector_load %arg12[%get3A_130, %get3A_131] {strides = array<i32>} : memref<64x128xf32, #tpu.memory_space<vmem>>, vector<16xf32>,
      %min3A_133 = arith.minimumf %get3A_129, %get3A_132 : vector<16xf32>
      %swap3A_134 = arith.index_cast %squeeze3A : i32 to index
      %swap3A_135 = arith.constant 16 : index
      %swap3A_136 = tpu.vector_load %arg14[%swap3A_134, %swap3A_135] {strides = array<i32>} : memref<320x128xf32, #tpu.memory_space<vmem>>, vector<16xf32>,
      tpu.vector_store %arg14[%swap3A_134, %swap3A_135], %min3A_133 {strides = array<i32>} : memref<320x128xf32, #tpu.memory_space<vmem>>, vector<16xf32>,
      %get3A_137 = arith.index_cast %squeeze3A : i32 to index
      %get3A_138 = arith.constant 32 : index
      %get3A_139 = tpu.vector_load %arg14[%get3A_137, %get3A_138] {strides = array<i32>} : memref<320x128xf32, #tpu.memory_space<vmem>>, vector<16xf32>,
      %get3A_140 = arith.index_cast %while3A_115 : i32 to index
      %get3A_141 = arith.constant 32 : index
      %get3A_142 = tpu.vector_load %arg12[%get3A_140, %get3A_141] {strides = array<i32>} : memref<64x128xf32, #tpu.memory_space<vmem>>, vector<16xf32>,
      %min3A_143 = arith.minimumf %get3A_139, %get3A_142 : vector<16xf32>
      %swap3A_144 = arith.index_cast %squeeze3A : i32 to index
      %swap3A_145 = arith.constant 32 : index
      %swap3A_146 = tpu.vector_load %arg14[%swap3A_144, %swap3A_145] {strides = array<i32>} : memref<320x128xf32, #tpu.memory_space<vmem>>, vector<16xf32>,
      tpu.vector_store %arg14[%swap3A_144, %swap3A_145], %min3A_143 {strides = array<i32>} : memref<320x128xf32, #tpu.memory_space<vmem>>, vector<16xf32>,
      %get3A_147 = arith.index_cast %squeeze3A : i32 to index
      %get3A_148 = arith.constant 48 : index
      %get3A_149 = tpu.vector_load %arg14[%get3A_147, %get3A_148] {strides = array<i32>} : memref<320x128xf32, #tpu.memory_space<vmem>>, vector<16xf32>,
      %get3A_150 = arith.index_cast %while3A_115 : i32 to index
      %get3A_151 = arith.constant 48 : index
      %get3A_152 = tpu.vector_load %arg12[%get3A_150, %get3A_151] {strides = array<i32>} : memref<64x128xf32, #tpu.memory_space<vmem>>, vector<16xf32>,
      %min3A_153 = arith.minimumf %get3A_149, %get3A_152 : vector<16xf32>
      %swap3A_154 = arith.index_cast %squeeze3A : i32 to index
      %swap3A_155 = arith.constant 48 : index
      %swap3A_156 = tpu.vector_load %arg14[%swap3A_154, %swap3A_155] {strides = array<i32>} : memref<320x128xf32, #tpu.memory_space<vmem>>, vector<16xf32>,
      tpu.vector_store %arg14[%swap3A_154, %swap3A_155], %min3A_153 {strides = array<i32>} : memref<320x128xf32, #tpu.memory_space<vmem>>, vector<16xf32>,
      %get3A_157 = arith.index_cast %squeeze3A : i32 to index
      %get3A_158 = arith.constant 64 : index
      %get3A_159 = tpu.vector_load %arg14[%get3A_157, %get3A_158] {strides = array<i32>} : memref<320x128xf32, #tpu.memory_space<vmem>>, vector<16xf32>,
      %get3A_160 = arith.index_cast %while3A_115 : i32 to index
      %get3A_161 = arith.constant 64 : index
      %get3A_162 = tpu.vector_load %arg12[%get3A_160, %get3A_161] {strides = array<i32>} : memref<64x128xf32, #tpu.memory_space<vmem>>, vector<16xf32>,
      %min3A_163 = arith.minimumf %get3A_159, %get3A_162 : vector<16xf32>
      %swap3A_164 = arith.index_cast %squeeze3A : i32 to index
      %swap3A_165 = arith.constant 64 : index
      %swap3A_166 = tpu.vector_load %arg14[%swap3A_164, %swap3A_165] {strides = array<i32>} : memref<320x128xf32, #tpu.memory_space<vmem>>, vector<16xf32>,
      tpu.vector_store %arg14[%swap3A_164, %swap3A_165], %min3A_163 {strides = array<i32>} : memref<320x128xf32, #tpu.memory_space<vmem>>, vector<16xf32>,
      %get3A_167 = arith.index_cast %squeeze3A : i32 to index
      %get3A_168 = arith.constant 80 : index
      %get3A_169 = tpu.vector_load %arg14[%get3A_167, %get3A_168] {strides = array<i32>} : memref<320x128xf32, #tpu.memory_space<vmem>>, vector<16xf32>,
      %get3A_170 = arith.index_cast %while3A_115 : i32 to index
      %get3A_171 = arith.constant 80 : index
      %get3A_172 = tpu.vector_load %arg12[%get3A_170, %get3A_171] {strides = array<i32>} : memref<64x128xf32, #tpu.memory_space<vmem>>, vector<16xf32>,
      %min3A_173 = arith.minimumf %get3A_169, %get3A_172 : vector<16xf32>
      %swap3A_174 = arith.index_cast %squeeze3A : i32 to index
      %swap3A_175 = arith.constant 80 : index
      %swap3A_176 = tpu.vector_load %arg14[%swap3A_174, %swap3A_175] {strides = array<i32>} : memref<320x128xf32, #tpu.memory_space<vmem>>, vector<16xf32>,
      tpu.vector_store %arg14[%swap3A_174, %swap3A_175], %min3A_173 {strides = array<i32>} : memref<320x128xf32, #tpu.memory_space<vmem>>, vector<16xf32>,
      %get3A_177 = arith.index_cast %squeeze3A : i32 to index
      %get3A_178 = arith.constant 96 : index
      %get3A_179 = tpu.vector_load %arg14[%get3A_177, %get3A_178] {strides = array<i32>} : memref<320x128xf32, #tpu.memory_space<vmem>>, vector<16xf32>,
      %get3A_180 = arith.index_cast %while3A_115 : i32 to index
      %get3A_181 = arith.constant 96 : index
      %get3A_182 = tpu.vector_load %arg12[%get3A_180, %get3A_181] {strides = array<i32>} : memref<64x128xf32, #tpu.memory_space<vmem>>, vector<16xf32>,
      %min3A_183 = arith.minimumf %get3A_179, %get3A_182 : vector<16xf32>
      %swap3A_184 = arith.index_cast %squeeze3A : i32 to index
      %swap3A_185 = arith.constant 96 : index
      %swap3A_186 = tpu.vector_load %arg14[%swap3A_184, %swap3A_185] {strides = array<i32>} : memref<320x128xf32, #tpu.memory_space<vmem>>, vector<16xf32>,
      tpu.vector_store %arg14[%swap3A_184, %swap3A_185], %min3A_183 {strides = array<i32>} : memref<320x128xf32, #tpu.memory_space<vmem>>, vector<16xf32>,
      %get3A_187 = arith.index_cast %squeeze3A : i32 to index
      %get3A_188 = arith.constant 112 : index
      %get3A_189 = tpu.vector_load %arg14[%get3A_187, %get3A_188] {strides = array<i32>} : memref<320x128xf32, #tpu.memory_space<vmem>>, vector<16xf32>,
      %get3A_190 = arith.index_cast %while3A_115 : i32 to index
      %get3A_191 = arith.constant 112 : index
      %get3A_192 = tpu.vector_load %arg12[%get3A_190, %get3A_191] {strides = array<i32>} : memref<64x128xf32, #tpu.memory_space<vmem>>, vector<16xf32>,
      %min3A_193 = arith.minimumf %get3A_189, %get3A_192 : vector<16xf32>
      %swap3A_194 = arith.index_cast %squeeze3A : i32 to index
      %swap3A_195 = arith.constant 112 : index
      %swap3A_196 = tpu.vector_load %arg14[%swap3A_194, %swap3A_195] {strides = array<i32>} : memref<320x128xf32, #tpu.memory_space<vmem>>, vector<16xf32>,
      tpu.vector_store %arg14[%swap3A_194, %swap3A_195], %min3A_193 {strides = array<i32>} : memref<320x128xf32, #tpu.memory_space<vmem>>, vector<16xf32>,
      %while3A_197 = arith.constant 0 : i32
      scf.yield %while3A_197 : i32
    }
    %while3A_79 = arith.constant 1 : i32
    %while3A_80 = scf.for %while3A_115 = %while3A_76 to %while3A_72 step %while3A_79 iter_args(%while3A_116 = %while3A_78) -> (i32)  : i32 {
      %get3A = arith.index_cast %while3A_115 : i32 to index
      %get3A_117 = tpu.vector_load %arg11[%get3A] {strides = array<i32>} : memref<80xi32, #tpu.memory_space<vmem>>, vector<16xi32>,
      %slice3A = vector.extract_strided_slice %get3A_117 {offsets = [0], sizes = [1], strides = [1]} : vector<16xi32> to vector<1xi32>
      %squeeze3A = vector.extract %slice3A[0] : i32 from vector<1xi32>
      %get3A_118 = arith.index_cast %squeeze3A : i32 to index
      %get3A_119 = arith.constant 0 : index
      %get3A_120 = tpu.vector_load %arg14[%get3A_118, %get3A_119] {strides = array<i32>} : memref<320x128xf32, #tpu.memory_space<vmem>>, vector<16xf32>,
      %get3A_121 = arith.index_cast %while3A_115 : i32 to index
      %get3A_122 = arith.constant 0 : index
      %get3A_123 = tpu.vector_load %arg12[%get3A_121, %get3A_122] {strides = array<i32>} : memref<64x128xf32, #tpu.memory_space<vmem>>, vector<16xf32>,
      %min3A = arith.minimumf %get3A_120, %get3A_123 : vector<16xf32>
      %swap3A_124 = arith.index_cast %squeeze3A : i32 to index
      %swap3A_125 = arith.constant 0 : index
      %swap3A_126 = tpu.vector_load %arg14[%swap3A_124, %swap3A_125] {strides = array<i32>} : memref<320x128xf32, #tpu.memory_space<vmem>>, vector<16xf32>,
      tpu.vector_store %arg14[%swap3A_124, %swap3A_125], %min3A {strides = array<i32>} : memref<320x128xf32, #tpu.memory_space<vmem>>, vector<16xf32>,
      %get3A_127 = arith.index_cast %squeeze3A : i32 to index
      %get3A_128 = arith.constant 16 : index
      %get3A_129 = tpu.vector_load %arg14[%get3A_127, %get3A_128] {strides = array<i32>} : memref<320x128xf32, #tpu.memory_space<vmem>>, vector<16xf32>,
      %get3A_130 = arith.index_cast %while3A_115 : i32 to index
      %get3A_131 = arith.constant 16 : index
      %get3A_132 = tpu.vector_load %arg12[%get3A_130, %get3A_131] {strides = array<i32>} : memref<64x128xf32, #tpu.memory_space<vmem>>, vector<16xf32>,
      %min3A_133 = arith.minimumf %get3A_129, %get3A_132 : vector<16xf32>
      %swap3A_134 = arith.index_cast %squeeze3A : i32 to index
      %swap3A_135 = arith.constant 16 : index
      %swap3A_136 = tpu.vector_load %arg14[%swap3A_134, %swap3A_135] {strides = array<i32>} : memref<320x128xf32, #tpu.memory_space<vmem>>, vector<16xf32>,
      tpu.vector_store %arg14[%swap3A_134, %swap3A_135], %min3A_133 {strides = array<i32>} : memref<320x128xf32, #tpu.memory_space<vmem>>, vector<16xf32>,
      %get3A_137 = arith.index_cast %squeeze3A : i32 to index
      %get3A_138 = arith.constant 32 : index
      %get3A_139 = tpu.vector_load %arg14[%get3A_137, %get3A_138] {strides = array<i32>} : memref<320x128xf32, #tpu.memory_space<vmem>>, vector<16xf32>,
      %get3A_140 = arith.index_cast %while3A_115 : i32 to index
      %get3A_141 = arith.constant 32 : index
      %get3A_142 = tpu.vector_load %arg12[%get3A_140, %get3A_141] {strides = array<i32>} : memref<64x128xf32, #tpu.memory_space<vmem>>, vector<16xf32>,
      %min3A_143 = arith.minimumf %get3A_139, %get3A_142 : vector<16xf32>
      %swap3A_144 = arith.index_cast %squeeze3A : i32 to index
      %swap3A_145 = arith.constant 32 : index
      %swap3A_146 = tpu.vector_load %arg14[%swap3A_144, %swap3A_145] {strides = array<i32>} : memref<320x128xf32, #tpu.memory_space<vmem>>, vector<16xf32>,
      tpu.vector_store %arg14[%swap3A_144, %swap3A_145], %min3A_143 {strides = array<i32>} : memref<320x128xf32, #tpu.memory_space<vmem>>, vector<16xf32>,
      %get3A_147 = arith.index_cast %squeeze3A : i32 to index
      %get3A_148 = arith.constant 48 : index
      %get3A_149 = tpu.vector_load %arg14[%get3A_147, %get3A_148] {strides = array<i32>} : memref<320x128xf32, #tpu.memory_space<vmem>>, vector<16xf32>,
      %get3A_150 = arith.index_cast %while3A_115 : i32 to index
      %get3A_151 = arith.constant 48 : index
      %get3A_152 = tpu.vector_load %arg12[%get3A_150, %get3A_151] {strides = array<i32>} : memref<64x128xf32, #tpu.memory_space<vmem>>, vector<16xf32>,
      %min3A_153 = arith.minimumf %get3A_149, %get3A_152 : vector<16xf32>
      %swap3A_154 = arith.index_cast %squeeze3A : i32 to index
      %swap3A_155 = arith.constant 48 : index
      %swap3A_156 = tpu.vector_load %arg14[%swap3A_154, %swap3A_155] {strides = array<i32>} : memref<320x128xf32, #tpu.memory_space<vmem>>, vector<16xf32>,
      tpu.vector_store %arg14[%swap3A_154, %swap3A_155], %min3A_153 {strides = array<i32>} : memref<320x128xf32, #tpu.memory_space<vmem>>, vector<16xf32>,
      %get3A_157 = arith.index_cast %squeeze3A : i32 to index
      %get3A_158 = arith.constant 64 : index
      %get3A_159 = tpu.vector_load %arg14[%get3A_157, %get3A_158] {strides = array<i32>} : memref<320x128xf32, #tpu.memory_space<vmem>>, vector<16xf32>,
      %get3A_160 = arith.index_cast %while3A_115 : i32 to index
      %get3A_161 = arith.constant 64 : index
      %get3A_162 = tpu.vector_load %arg12[%get3A_160, %get3A_161] {strides = array<i32>} : memref<64x128xf32, #tpu.memory_space<vmem>>, vector<16xf32>,
      %min3A_163 = arith.minimumf %get3A_159, %get3A_162 : vector<16xf32>
      %swap3A_164 = arith.index_cast %squeeze3A : i32 to index
      %swap3A_165 = arith.constant 64 : index
      %swap3A_166 = tpu.vector_load %arg14[%swap3A_164, %swap3A_165] {strides = array<i32>} : memref<320x128xf32, #tpu.memory_space<vmem>>, vector<16xf32>,
      tpu.vector_store %arg14[%swap3A_164, %swap3A_165], %min3A_163 {strides = array<i32>} : memref<320x128xf32, #tpu.memory_space<vmem>>, vector<16xf32>,
      %get3A_167 = arith.index_cast %squeeze3A : i32 to index
      %get3A_168 = arith.constant 80 : index
      %get3A_169 = tpu.vector_load %arg14[%get3A_167, %get3A_168] {strides = array<i32>} : memref<320x128xf32, #tpu.memory_space<vmem>>, vector<16xf32>,
      %get3A_170 = arith.index_cast %while3A_115 : i32 to index
      %get3A_171 = arith.constant 80 : index
      %get3A_172 = tpu.vector_load %arg12[%get3A_170, %get3A_171] {strides = array<i32>} : memref<64x128xf32, #tpu.memory_space<vmem>>, vector<16xf32>,
      %min3A_173 = arith.minimumf %get3A_169, %get3A_172 : vector<16xf32>
      %swap3A_174 = arith.index_cast %squeeze3A : i32 to index
      %swap3A_175 = arith.constant 80 : index
      %swap3A_176 = tpu.vector_load %arg14[%swap3A_174, %swap3A_175] {strides = array<i32>} : memref<320x128xf32, #tpu.memory_space<vmem>>, vector<16xf32>,
      tpu.vector_store %arg14[%swap3A_174, %swap3A_175], %min3A_173 {strides = array<i32>} : memref<320x128xf32, #tpu.memory_space<vmem>>, vector<16xf32>,
      %get3A_177 = arith.index_cast %squeeze3A : i32 to index
      %get3A_178 = arith.constant 96 : index
      %get3A_179 = tpu.vector_load %arg14[%get3A_177, %get3A_178] {strides = array<i32>} : memref<320x128xf32, #tpu.memory_space<vmem>>, vector<16xf32>,
      %get3A_180 = arith.index_cast %while3A_115 : i32 to index
      %get3A_181 = arith.constant 96 : index
      %get3A_182 = tpu.vector_load %arg12[%get3A_180, %get3A_181] {strides = array<i32>} : memref<64x128xf32, #tpu.memory_space<vmem>>, vector<16xf32>,
      %min3A_183 = arith.minimumf %get3A_179, %get3A_182 : vector<16xf32>
      %swap3A_184 = arith.index_cast %squeeze3A : i32 to index
      %swap3A_185 = arith.constant 96 : index
      %swap3A_186 = tpu.vector_load %arg14[%swap3A_184, %swap3A_185] {strides = array<i32>} : memref<320x128xf32, #tpu.memory_space<vmem>>, vector<16xf32>,
      tpu.vector_store %arg14[%swap3A_184, %swap3A_185], %min3A_183 {strides = array<i32>} : memref<320x128xf32, #tpu.memory_space<vmem>>, vector<16xf32>,
      %get3A_187 = arith.index_cast %squeeze3A : i32 to index
      %get3A_188 = arith.constant 112 : index
      %get3A_189 = tpu.vector_load %arg14[%get3A_187, %get3A_188] {strides = array<i32>} : memref<320x128xf32, #tpu.memory_space<vmem>>, vector<16xf32>,
      %get3A_190 = arith.index_cast %while3A_115 : i32 to index
      %get3A_191 = arith.constant 112 : index
      %get3A_192 = tpu.vector_load %arg12[%get3A_190, %get3A_191] {strides = array<i32>} : memref<64x128xf32, #tpu.memory_space<vmem>>, vector<16xf32>,
      %min3A_193 = arith.minimumf %get3A_189, %get3A_192 : vector<16xf32>
      %swap3A_194 = arith.index_cast %squeeze3A : i32 to index
      %swap3A_195 = arith.constant 112 : index
      %swap3A_196 = tpu.vector_load %arg14[%swap3A_194, %swap3A_195] {strides = array<i32>} : memref<320x128xf32, #tpu.memory_space<vmem>>, vector<16xf32>,
      tpu.vector_store %arg14[%swap3A_194, %swap3A_195], %min3A_193 {strides = array<i32>} : memref<320x128xf32, #tpu.memory_space<vmem>>, vector<16xf32>,
      %while3A_197 = arith.constant 0 : i32
      scf.yield %while3A_197 : i32
    }
    %add3A_81 = arith.constant 64 : i32
    %add3A_82 = arith.addi %scan3A_56#0, %add3A_81 : i32
    %sub3A = arith.constant 1 : i32
    %sub3A_83 = arith.subi %add3A_82, %sub3A : i32
    %jit3A = arith.constant 64 : i32
    %div3A = arith.divsi %sub3A_83, %jit3A : i32
    %sign3A = arith.constant 0 : i32
    %sign3A_84 = arith.cmpi sgt, %sub3A_83, %sign3A : i32
    %sign3A_85 = arith.extui %sign3A_84 : i1 to i32
    %sign3A_86 = arith.constant 0 : i32
    %sign3A_87 = arith.cmpi slt, %sub3A_83, %sign3A_86 : i32
    %sign3A_88 = arith.extui %sign3A_87 : i1 to i32
    %sign3A_89 = arith.subi %sign3A_85, %sign3A_88 : i32
    %sign3A_90 = arith.constant 0 : i32
    %sign3A_91 = arith.cmpi sgt, %jit3A, %sign3A_90 : i32
    %sign3A_92 = arith.extui %sign3A_91 : i1 to i32
    %sign3A_93 = arith.constant 0 : i32
    %sign3A_94 = arith.cmpi slt, %jit3A, %sign3A_93 : i32
    %sign3A_95 = arith.extui %sign3A_94 : i1 to i32
    %sign3A_96 = arith.subi %sign3A_92, %sign3A_95 : i32
    %ne3A = arith.cmpi ne, %sign3A_89, %sign3A_96 : i32
    %rem3A = arith.remsi %sub3A_83, %jit3A : i32
    %ne3A_97 = arith.constant 0 : i32
    %ne3A_98 = arith.cmpi ne, %rem3A, %ne3A_97 : i32
    %and3A = arith.andi %ne3A, %ne3A_98 : i1
    %sub3A_99 = arith.constant 1 : i32
    %sub3A_100 = arith.subi %div3A, %sub3A_99 : i32
    %select_n3A = arith.select %and3A, %sub3A_100, %div3A : i32
    %while3A_101 = arith.constant 0 : i32
    %while3A_102 = arith.constant 0 : i32
    %while3A_103 = arith.subi %select_n3A, %while3A_101 : i32
    %while3A_104 = arith.addi %while3A_101, %while3A_103 : i32
    %while3A_105 = arith.constant 1 : i32
    %while3A_106 = arith.divsi %while3A_103, %while3A_105 : i32
    %while3A_107 = arith.muli %while3A_106, %while3A_105 : i32
    %while3A_108 = arith.addi %while3A_101, %while3A_107 : i32
    %while3A_109 = arith.constant 1 : i32
    %while3A_110 = scf.for %while3A_115 = %while3A_101 to %while3A_108 step %while3A_109 iter_args(%while3A_116 = %while3A_102) -> (i32)  : i32 {
      %mul3A_117 = arith.constant 64 : i32
      %mul3A_118 = arith.muli %while3A_115, %mul3A_117 : i32
      %dma_start3A_119 = tpu.memref_slice %arg8[%mul3A_118] : memref<4128xi32, #tpu.memory_space<vmem>> -> memref<64xi32, #tpu.memory_space<vmem>>
      %dma_start3A_120 = arith.constant 0 : i32
      %dma_start3A_121 = arith.constant 0 : i32
      %dma_start3A_122 = tpu.memref_slice %arg4[%dma_start3A_120, %dma_start3A_121] : memref<10000x128xf32, #tpu.memory_space<hbm>> -> memref<10000x128xf32, #tpu.memory_space<hbm>>
      tpu.enqueue_indirect_dma source(%dma_start3A_122 : memref<10000x128xf32, #tpu.memory_space<hbm>>) target(%arg13 : memref<64x128xf32, #tpu.memory_space<vmem>>) offsets(%dma_start3A_119 : memref<64xi32, #tpu.memory_space<vmem>>) semaphore(%arg16 : memref<!tpu.dma_semaphore, #tpu.memory_space<semaphore_mem>>)
      %dma_wait3A_123 = tpu.memref_slice %arg8[%mul3A_118] : memref<4128xi32, #tpu.memory_space<vmem>> -> memref<64xi32, #tpu.memory_space<vmem>>
      %dma_wait3A_124 = arith.constant 0 : i32
      %dma_wait3A_125 = arith.constant 0 : i32
      %dma_wait3A_126 = tpu.memref_slice %arg4[%dma_wait3A_124, %dma_wait3A_125] : memref<10000x128xf32, #tpu.memory_space<hbm>> -> memref<10000x128xf32, #tpu.memory_space<hbm>>
      tpu.wait_indirect_dma semaphore(%arg16 : memref<!tpu.dma_semaphore, #tpu.memory_space<semaphore_mem>>) src(%dma_wait3A_126 : memref<10000x128xf32, #tpu.memory_space<hbm>>) dst(%arg13 : memref<64x128xf32, #tpu.memory_space<vmem>>)
      %mul3A_127 = arith.constant 64 : i32
      %mul3A_128 = arith.muli %while3A_115, %mul3A_127 : i32
      %sub3A_129 = arith.subi %scan3A_56#0, %mul3A_128 : i32
      %jit3A_130 = arith.constant 0 : i32
      %jit3A_131 = arith.constant 64 : i32
      %max3A = arith.maxsi %jit3A_130, %sub3A_129 : i32
      %min3A = arith.minsi %jit3A_131, %max3A : i32
      %while3A_132 = arith.constant 0 : i32
      %while3A_133 = arith.constant 0 : i32
      %while3A_134 = arith.subi %min3A, %while3A_132 : i32
      %while3A_135 = arith.addi %while3A_132, %while3A_134 : i32
      %while3A_136 = arith.constant 1 : i32
      %while3A_137 = arith.divsi %while3A_134, %while3A_136 : i32
      %while3A_138 = arith.muli %while3A_137, %while3A_136 : i32
      %while3A_139 = arith.addi %while3A_132, %while3A_138 : i32
      %while3A_140 = arith.constant 1 : i32
      %while3A_141 = scf.for %while3A_145 = %while3A_132 to %while3A_139 step %while3A_140 iter_args(%while3A_146 = %while3A_133) -> (i32)  : i32 {
        %mul3A_147 = arith.constant 64 : i32
        %mul3A_148 = arith.muli %while3A_115, %mul3A_147 : i32
        %add3A_149 = arith.addi %mul3A_148, %while3A_145 : i32
        %get3A = arith.index_cast %add3A_149 : i32 to index
        %get3A_150 = tpu.vector_load %arg9[%get3A] {strides = array<i32>} : memref<4128xi32, #tpu.memory_space<vmem>>, vector<16xi32>,
        %slice3A = vector.extract_strided_slice %get3A_150 {offsets = [0], sizes = [1], strides = [1]} : vector<16xi32> to vector<1xi32>
        %squeeze3A = vector.extract %slice3A[0] : i32 from vector<1xi32>
        %get3A_151 = arith.index_cast %squeeze3A : i32 to index
        %get3A_152 = arith.constant 0 : index
        %get3A_153 = tpu.vector_load %arg14[%get3A_151, %get3A_152] {strides = array<i32>} : memref<320x128xf32, #tpu.memory_space<vmem>>, vector<16xf32>,
        %get3A_154 = arith.index_cast %while3A_145 : i32 to index
        %get3A_155 = arith.constant 0 : index
        %get3A_156 = tpu.vector_load %arg13[%get3A_154, %get3A_155] {strides = array<i32>} : memref<64x128xf32, #tpu.memory_space<vmem>>, vector<16xf32>,
        %min3A_157 = arith.minimumf %get3A_153, %get3A_156 : vector<16xf32>
        %swap3A_158 = arith.index_cast %squeeze3A : i32 to index
        %swap3A_159 = arith.constant 0 : index
        %swap3A_160 = tpu.vector_load %arg14[%swap3A_158, %swap3A_159] {strides = array<i32>} : memref<320x128xf32, #tpu.memory_space<vmem>>, vector<16xf32>,
        tpu.vector_store %arg14[%swap3A_158, %swap3A_159], %min3A_157 {strides = array<i32>} : memref<320x128xf32, #tpu.memory_space<vmem>>, vector<16xf32>,
        %get3A_161 = arith.index_cast %squeeze3A : i32 to index
        %get3A_162 = arith.constant 16 : index
        %get3A_163 = tpu.vector_load %arg14[%get3A_161, %get3A_162] {strides = array<i32>} : memref<320x128xf32, #tpu.memory_space<vmem>>, vector<16xf32>,
        %get3A_164 = arith.index_cast %while3A_145 : i32 to index
        %get3A_165 = arith.constant 16 : index
        %get3A_166 = tpu.vector_load %arg13[%get3A_164, %get3A_165] {strides = array<i32>} : memref<64x128xf32, #tpu.memory_space<vmem>>, vector<16xf32>,
        %min3A_167 = arith.minimumf %get3A_163, %get3A_166 : vector<16xf32>
        %swap3A_168 = arith.index_cast %squeeze3A : i32 to index
        %swap3A_169 = arith.constant 16 : index
        %swap3A_170 = tpu.vector_load %arg14[%swap3A_168, %swap3A_169] {strides = array<i32>} : memref<320x128xf32, #tpu.memory_space<vmem>>, vector<16xf32>,
        tpu.vector_store %arg14[%swap3A_168, %swap3A_169], %min3A_167 {strides = array<i32>} : memref<320x128xf32, #tpu.memory_space<vmem>>, vector<16xf32>,
        %get3A_171 = arith.index_cast %squeeze3A : i32 to index
        %get3A_172 = arith.constant 32 : index
        %get3A_173 = tpu.vector_load %arg14[%get3A_171, %get3A_172] {strides = array<i32>} : memref<320x128xf32, #tpu.memory_space<vmem>>, vector<16xf32>,
        %get3A_174 = arith.index_cast %while3A_145 : i32 to index
        %get3A_175 = arith.constant 32 : index
        %get3A_176 = tpu.vector_load %arg13[%get3A_174, %get3A_175] {strides = array<i32>} : memref<64x128xf32, #tpu.memory_space<vmem>>, vector<16xf32>,
        %min3A_177 = arith.minimumf %get3A_173, %get3A_176 : vector<16xf32>
        %swap3A_178 = arith.index_cast %squeeze3A : i32 to index
        %swap3A_179 = arith.constant 32 : index
        %swap3A_180 = tpu.vector_load %arg14[%swap3A_178, %swap3A_179] {strides = array<i32>} : memref<320x128xf32, #tpu.memory_space<vmem>>, vector<16xf32>,
        tpu.vector_store %arg14[%swap3A_178, %swap3A_179], %min3A_177 {strides = array<i32>} : memref<320x128xf32, #tpu.memory_space<vmem>>, vector<16xf32>,
        %get3A_181 = arith.index_cast %squeeze3A : i32 to index
        %get3A_182 = arith.constant 48 : index
        %get3A_183 = tpu.vector_load %arg14[%get3A_181, %get3A_182] {strides = array<i32>} : memref<320x128xf32, #tpu.memory_space<vmem>>, vector<16xf32>,
        %get3A_184 = arith.index_cast %while3A_145 : i32 to index
        %get3A_185 = arith.constant 48 : index
        %get3A_186 = tpu.vector_load %arg13[%get3A_184, %get3A_185] {strides = array<i32>} : memref<64x128xf32, #tpu.memory_space<vmem>>, vector<16xf32>,
        %min3A_187 = arith.minimumf %get3A_183, %get3A_186 : vector<16xf32>
        %swap3A_188 = arith.index_cast %squeeze3A : i32 to index
        %swap3A_189 = arith.constant 48 : index
        %swap3A_190 = tpu.vector_load %arg14[%swap3A_188, %swap3A_189] {strides = array<i32>} : memref<320x128xf32, #tpu.memory_space<vmem>>, vector<16xf32>,
        tpu.vector_store %arg14[%swap3A_188, %swap3A_189], %min3A_187 {strides = array<i32>} : memref<320x128xf32, #tpu.memory_space<vmem>>, vector<16xf32>,
        %get3A_191 = arith.index_cast %squeeze3A : i32 to index
        %get3A_192 = arith.constant 64 : index
        %get3A_193 = tpu.vector_load %arg14[%get3A_191, %get3A_192] {strides = array<i32>} : memref<320x128xf32, #tpu.memory_space<vmem>>, vector<16xf32>,
        %get3A_194 = arith.index_cast %while3A_145 : i32 to index
        %get3A_195 = arith.constant 64 : index
        %get3A_196 = tpu.vector_load %arg13[%get3A_194, %get3A_195] {strides = array<i32>} : memref<64x128xf32, #tpu.memory_space<vmem>>, vector<16xf32>,
        %min3A_197 = arith.minimumf %get3A_193, %get3A_196 : vector<16xf32>
        %swap3A_198 = arith.index_cast %squeeze3A : i32 to index
        %swap3A_199 = arith.constant 64 : index
        %swap3A_200 = tpu.vector_load %arg14[%swap3A_198, %swap3A_199] {strides = array<i32>} : memref<320x128xf32, #tpu.memory_space<vmem>>, vector<16xf32>,
        tpu.vector_store %arg14[%swap3A_198, %swap3A_199], %min3A_197 {strides = array<i32>} : memref<320x128xf32, #tpu.memory_space<vmem>>, vector<16xf32>,
        %get3A_201 = arith.index_cast %squeeze3A : i32 to index
        %get3A_202 = arith.constant 80 : index
        %get3A_203 = tpu.vector_load %arg14[%get3A_201, %get3A_202] {strides = array<i32>} : memref<320x128xf32, #tpu.memory_space<vmem>>, vector<16xf32>,
        %get3A_204 = arith.index_cast %while3A_145 : i32 to index
        %get3A_205 = arith.constant 80 : index
        %get3A_206 = tpu.vector_load %arg13[%get3A_204, %get3A_205] {strides = array<i32>} : memref<64x128xf32, #tpu.memory_space<vmem>>, vector<16xf32>,
        %min3A_207 = arith.minimumf %get3A_203, %get3A_206 : vector<16xf32>
        %swap3A_208 = arith.index_cast %squeeze3A : i32 to index
        %swap3A_209 = arith.constant 80 : index
        %swap3A_210 = tpu.vector_load %arg14[%swap3A_208, %swap3A_209] {strides = array<i32>} : memref<320x128xf32, #tpu.memory_space<vmem>>, vector<16xf32>,
        tpu.vector_store %arg14[%swap3A_208, %swap3A_209], %min3A_207 {strides = array<i32>} : memref<320x128xf32, #tpu.memory_space<vmem>>, vector<16xf32>,
        %get3A_211 = arith.index_cast %squeeze3A : i32 to index
        %get3A_212 = arith.constant 96 : index
        %get3A_213 = tpu.vector_load %arg14[%get3A_211, %get3A_212] {strides = array<i32>} : memref<320x128xf32, #tpu.memory_space<vmem>>, vector<16xf32>,
        %get3A_214 = arith.index_cast %while3A_145 : i32 to index
        %get3A_215 = arith.constant 96 : index
        %get3A_216 = tpu.vector_load %arg13[%get3A_214, %get3A_215] {strides = array<i32>} : memref<64x128xf32, #tpu.memory_space<vmem>>, vector<16xf32>,
        %min3A_217 = arith.minimumf %get3A_213, %get3A_216 : vector<16xf32>
        %swap3A_218 = arith.index_cast %squeeze3A : i32 to index
        %swap3A_219 = arith.constant 96 : index
        %swap3A_220 = tpu.vector_load %arg14[%swap3A_218, %swap3A_219] {strides = array<i32>} : memref<320x128xf32, #tpu.memory_space<vmem>>, vector<16xf32>,
        tpu.vector_store %arg14[%swap3A_218, %swap3A_219], %min3A_217 {strides = array<i32>} : memref<320x128xf32, #tpu.memory_space<vmem>>, vector<16xf32>,
        %get3A_221 = arith.index_cast %squeeze3A : i32 to index
        %get3A_222 = arith.constant 112 : index
        %get3A_223 = tpu.vector_load %arg14[%get3A_221, %get3A_222] {strides = array<i32>} : memref<320x128xf32, #tpu.memory_space<vmem>>, vector<16xf32>,
        %get3A_224 = arith.index_cast %while3A_145 : i32 to index
        %get3A_225 = arith.constant 112 : index
        %get3A_226 = tpu.vector_load %arg13[%get3A_224, %get3A_225] {strides = array<i32>} : memref<64x128xf32, #tpu.memory_space<vmem>>, vector<16xf32>,
        %min3A_227 = arith.minimumf %get3A_223, %get3A_226 : vector<16xf32>
        %swap3A_228 = arith.index_cast %squeeze3A : i32 to index
        %swap3A_229 = arith.constant 112 : index
        %swap3A_230 = tpu.vector_load %arg14[%swap3A_228, %swap3A_229] {strides = array<i32>} : memref<320x128xf32, #tpu.memory_space<vmem>>, vector<16xf32>,
        tpu.vector_store %arg14[%swap3A_228, %swap3A_229], %min3A_227 {strides = array<i32>} : memref<320x128xf32, #tpu.memory_space<vmem>>, vector<16xf32>,
        %while3A_231 = arith.constant 0 : i32
        scf.yield %while3A_231 : i32
      }
      %while3A_142 = arith.constant 1 : i32
      %while3A_143 = scf.for %while3A_145 = %while3A_139 to %while3A_135 step %while3A_142 iter_args(%while3A_146 = %while3A_141) -> (i32)  : i32 {
        %mul3A_147 = arith.constant 64 : i32
        %mul3A_148 = arith.muli %while3A_115, %mul3A_147 : i32
        %add3A_149 = arith.addi %mul3A_148, %while3A_145 : i32
        %get3A = arith.index_cast %add3A_149 : i32 to index
        %get3A_150 = tpu.vector_load %arg9[%get3A] {strides = array<i32>} : memref<4128xi32, #tpu.memory_space<vmem>>, vector<16xi32>,
        %slice3A = vector.extract_strided_slice %get3A_150 {offsets = [0], sizes = [1], strides = [1]} : vector<16xi32> to vector<1xi32>
        %squeeze3A = vector.extract %slice3A[0] : i32 from vector<1xi32>
        %get3A_151 = arith.index_cast %squeeze3A : i32 to index
        %get3A_152 = arith.constant 0 : index
        %get3A_153 = tpu.vector_load %arg14[%get3A_151, %get3A_152] {strides = array<i32>} : memref<320x128xf32, #tpu.memory_space<vmem>>, vector<16xf32>,
        %get3A_154 = arith.index_cast %while3A_145 : i32 to index
        %get3A_155 = arith.constant 0 : index
        %get3A_156 = tpu.vector_load %arg13[%get3A_154, %get3A_155] {strides = array<i32>} : memref<64x128xf32, #tpu.memory_space<vmem>>, vector<16xf32>,
        %min3A_157 = arith.minimumf %get3A_153, %get3A_156 : vector<16xf32>
        %swap3A_158 = arith.index_cast %squeeze3A : i32 to index
        %swap3A_159 = arith.constant 0 : index
        %swap3A_160 = tpu.vector_load %arg14[%swap3A_158, %swap3A_159] {strides = array<i32>} : memref<320x128xf32, #tpu.memory_space<vmem>>, vector<16xf32>,
        tpu.vector_store %arg14[%swap3A_158, %swap3A_159], %min3A_157 {strides = array<i32>} : memref<320x128xf32, #tpu.memory_space<vmem>>, vector<16xf32>,
        %get3A_161 = arith.index_cast %squeeze3A : i32 to index
        %get3A_162 = arith.constant 16 : index
        %get3A_163 = tpu.vector_load %arg14[%get3A_161, %get3A_162] {strides = array<i32>} : memref<320x128xf32, #tpu.memory_space<vmem>>, vector<16xf32>,
        %get3A_164 = arith.index_cast %while3A_145 : i32 to index
        %get3A_165 = arith.constant 16 : index
        %get3A_166 = tpu.vector_load %arg13[%get3A_164, %get3A_165] {strides = array<i32>} : memref<64x128xf32, #tpu.memory_space<vmem>>, vector<16xf32>,
        %min3A_167 = arith.minimumf %get3A_163, %get3A_166 : vector<16xf32>
        %swap3A_168 = arith.index_cast %squeeze3A : i32 to index
        %swap3A_169 = arith.constant 16 : index
        %swap3A_170 = tpu.vector_load %arg14[%swap3A_168, %swap3A_169] {strides = array<i32>} : memref<320x128xf32, #tpu.memory_space<vmem>>, vector<16xf32>,
        tpu.vector_store %arg14[%swap3A_168, %swap3A_169], %min3A_167 {strides = array<i32>} : memref<320x128xf32, #tpu.memory_space<vmem>>, vector<16xf32>,
        %get3A_171 = arith.index_cast %squeeze3A : i32 to index
        %get3A_172 = arith.constant 32 : index
        %get3A_173 = tpu.vector_load %arg14[%get3A_171, %get3A_172] {strides = array<i32>} : memref<320x128xf32, #tpu.memory_space<vmem>>, vector<16xf32>,
        %get3A_174 = arith.index_cast %while3A_145 : i32 to index
        %get3A_175 = arith.constant 32 : index
        %get3A_176 = tpu.vector_load %arg13[%get3A_174, %get3A_175] {strides = array<i32>} : memref<64x128xf32, #tpu.memory_space<vmem>>, vector<16xf32>,
        %min3A_177 = arith.minimumf %get3A_173, %get3A_176 : vector<16xf32>
        %swap3A_178 = arith.index_cast %squeeze3A : i32 to index
        %swap3A_179 = arith.constant 32 : index
        %swap3A_180 = tpu.vector_load %arg14[%swap3A_178, %swap3A_179] {strides = array<i32>} : memref<320x128xf32, #tpu.memory_space<vmem>>, vector<16xf32>,
        tpu.vector_store %arg14[%swap3A_178, %swap3A_179], %min3A_177 {strides = array<i32>} : memref<320x128xf32, #tpu.memory_space<vmem>>, vector<16xf32>,
        %get3A_181 = arith.index_cast %squeeze3A : i32 to index
        %get3A_182 = arith.constant 48 : index
        %get3A_183 = tpu.vector_load %arg14[%get3A_181, %get3A_182] {strides = array<i32>} : memref<320x128xf32, #tpu.memory_space<vmem>>, vector<16xf32>,
        %get3A_184 = arith.index_cast %while3A_145 : i32 to index
        %get3A_185 = arith.constant 48 : index
        %get3A_186 = tpu.vector_load %arg13[%get3A_184, %get3A_185] {strides = array<i32>} : memref<64x128xf32, #tpu.memory_space<vmem>>, vector<16xf32>,
        %min3A_187 = arith.minimumf %get3A_183, %get3A_186 : vector<16xf32>
        %swap3A_188 = arith.index_cast %squeeze3A : i32 to index
        %swap3A_189 = arith.constant 48 : index
        %swap3A_190 = tpu.vector_load %arg14[%swap3A_188, %swap3A_189] {strides = array<i32>} : memref<320x128xf32, #tpu.memory_space<vmem>>, vector<16xf32>,
        tpu.vector_store %arg14[%swap3A_188, %swap3A_189], %min3A_187 {strides = array<i32>} : memref<320x128xf32, #tpu.memory_space<vmem>>, vector<16xf32>,
        %get3A_191 = arith.index_cast %squeeze3A : i32 to index
        %get3A_192 = arith.constant 64 : index
        %get3A_193 = tpu.vector_load %arg14[%get3A_191, %get3A_192] {strides = array<i32>} : memref<320x128xf32, #tpu.memory_space<vmem>>, vector<16xf32>,
        %get3A_194 = arith.index_cast %while3A_145 : i32 to index
        %get3A_195 = arith.constant 64 : index
        %get3A_196 = tpu.vector_load %arg13[%get3A_194, %get3A_195] {strides = array<i32>} : memref<64x128xf32, #tpu.memory_space<vmem>>, vector<16xf32>,
        %min3A_197 = arith.minimumf %get3A_193, %get3A_196 : vector<16xf32>
        %swap3A_198 = arith.index_cast %squeeze3A : i32 to index
        %swap3A_199 = arith.constant 64 : index
        %swap3A_200 = tpu.vector_load %arg14[%swap3A_198, %swap3A_199] {strides = array<i32>} : memref<320x128xf32, #tpu.memory_space<vmem>>, vector<16xf32>,
        tpu.vector_store %arg14[%swap3A_198, %swap3A_199], %min3A_197 {strides = array<i32>} : memref<320x128xf32, #tpu.memory_space<vmem>>, vector<16xf32>,
        %get3A_201 = arith.index_cast %squeeze3A : i32 to index
        %get3A_202 = arith.constant 80 : index
        %get3A_203 = tpu.vector_load %arg14[%get3A_201, %get3A_202] {strides = array<i32>} : memref<320x128xf32, #tpu.memory_space<vmem>>, vector<16xf32>,
        %get3A_204 = arith.index_cast %while3A_145 : i32 to index
        %get3A_205 = arith.constant 80 : index
        %get3A_206 = tpu.vector_load %arg13[%get3A_204, %get3A_205] {strides = array<i32>} : memref<64x128xf32, #tpu.memory_space<vmem>>, vector<16xf32>,
        %min3A_207 = arith.minimumf %get3A_203, %get3A_206 : vector<16xf32>
        %swap3A_208 = arith.index_cast %squeeze3A : i32 to index
        %swap3A_209 = arith.constant 80 : index
        %swap3A_210 = tpu.vector_load %arg14[%swap3A_208, %swap3A_209] {strides = array<i32>} : memref<320x128xf32, #tpu.memory_space<vmem>>, vector<16xf32>,
        tpu.vector_store %arg14[%swap3A_208, %swap3A_209], %min3A_207 {strides = array<i32>} : memref<320x128xf32, #tpu.memory_space<vmem>>, vector<16xf32>,
        %get3A_211 = arith.index_cast %squeeze3A : i32 to index
        %get3A_212 = arith.constant 96 : index
        %get3A_213 = tpu.vector_load %arg14[%get3A_211, %get3A_212] {strides = array<i32>} : memref<320x128xf32, #tpu.memory_space<vmem>>, vector<16xf32>,
        %get3A_214 = arith.index_cast %while3A_145 : i32 to index
        %get3A_215 = arith.constant 96 : index
        %get3A_216 = tpu.vector_load %arg13[%get3A_214, %get3A_215] {strides = array<i32>} : memref<64x128xf32, #tpu.memory_space<vmem>>, vector<16xf32>,
        %min3A_217 = arith.minimumf %get3A_213, %get3A_216 : vector<16xf32>
        %swap3A_218 = arith.index_cast %squeeze3A : i32 to index
        %swap3A_219 = arith.constant 96 : index
        %swap3A_220 = tpu.vector_load %arg14[%swap3A_218, %swap3A_219] {strides = array<i32>} : memref<320x128xf32, #tpu.memory_space<vmem>>, vector<16xf32>,
        tpu.vector_store %arg14[%swap3A_218, %swap3A_219], %min3A_217 {strides = array<i32>} : memref<320x128xf32, #tpu.memory_space<vmem>>, vector<16xf32>,
        %get3A_221 = arith.index_cast %squeeze3A : i32 to index
        %get3A_222 = arith.constant 112 : index
        %get3A_223 = tpu.vector_load %arg14[%get3A_221, %get3A_222] {strides = array<i32>} : memref<320x128xf32, #tpu.memory_space<vmem>>, vector<16xf32>,
        %get3A_224 = arith.index_cast %while3A_145 : i32 to index
        %get3A_225 = arith.constant 112 : index
        %get3A_226 = tpu.vector_load %arg13[%get3A_224, %get3A_225] {strides = array<i32>} : memref<64x128xf32, #tpu.memory_space<vmem>>, vector<16xf32>,
        %min3A_227 = arith.minimumf %get3A_223, %get3A_226 : vector<16xf32>
        %swap3A_228 = arith.index_cast %squeeze3A : i32 to index
        %swap3A_229 = arith.constant 112 : index
        %swap3A_230 = tpu.vector_load %arg14[%swap3A_228, %swap3A_229] {strides = array<i32>} : memref<320x128xf32, #tpu.memory_space<vmem>>, vector<16xf32>,
        tpu.vector_store %arg14[%swap3A_228, %swap3A_229], %min3A_227 {strides = array<i32>} : memref<320x128xf32, #tpu.memory_space<vmem>>, vector<16xf32>,
        %while3A_231 = arith.constant 0 : i32
        scf.yield %while3A_231 : i32
      }
      %while3A_144 = arith.constant 0 : i32
      scf.yield %while3A_144 : i32
    }
    %while3A_111 = arith.constant 1 : i32
    %while3A_112 = scf.for %while3A_115 = %while3A_108 to %while3A_104 step %while3A_111 iter_args(%while3A_116 = %while3A_110) -> (i32)  : i32 {
      %mul3A_117 = arith.constant 64 : i32
      %mul3A_118 = arith.muli %while3A_115, %mul3A_117 : i32
      %dma_start3A_119 = tpu.memref_slice %arg8[%mul3A_118] : memref<4128xi32, #tpu.memory_space<vmem>> -> memref<64xi32, #tpu.memory_space<vmem>>
      %dma_start3A_120 = arith.constant 0 : i32
      %dma_start3A_121 = arith.constant 0 : i32
      %dma_start3A_122 = tpu.memref_slice %arg4[%dma_start3A_120, %dma_start3A_121] : memref<10000x128xf32, #tpu.memory_space<hbm>> -> memref<10000x128xf32, #tpu.memory_space<hbm>>
      tpu.enqueue_indirect_dma source(%dma_start3A_122 : memref<10000x128xf32, #tpu.memory_space<hbm>>) target(%arg13 : memref<64x128xf32, #tpu.memory_space<vmem>>) offsets(%dma_start3A_119 : memref<64xi32, #tpu.memory_space<vmem>>) semaphore(%arg16 : memref<!tpu.dma_semaphore, #tpu.memory_space<semaphore_mem>>)
      %dma_wait3A_123 = tpu.memref_slice %arg8[%mul3A_118] : memref<4128xi32, #tpu.memory_space<vmem>> -> memref<64xi32, #tpu.memory_space<vmem>>
      %dma_wait3A_124 = arith.constant 0 : i32
      %dma_wait3A_125 = arith.constant 0 : i32
      %dma_wait3A_126 = tpu.memref_slice %arg4[%dma_wait3A_124, %dma_wait3A_125] : memref<10000x128xf32, #tpu.memory_space<hbm>> -> memref<10000x128xf32, #tpu.memory_space<hbm>>
      tpu.wait_indirect_dma semaphore(%arg16 : memref<!tpu.dma_semaphore, #tpu.memory_space<semaphore_mem>>) src(%dma_wait3A_126 : memref<10000x128xf32, #tpu.memory_space<hbm>>) dst(%arg13 : memref<64x128xf32, #tpu.memory_space<vmem>>)
      %mul3A_127 = arith.constant 64 : i32
      %mul3A_128 = arith.muli %while3A_115, %mul3A_127 : i32
      %sub3A_129 = arith.subi %scan3A_56#0, %mul3A_128 : i32
      %jit3A_130 = arith.constant 0 : i32
      %jit3A_131 = arith.constant 64 : i32
      %max3A = arith.maxsi %jit3A_130, %sub3A_129 : i32
      %min3A = arith.minsi %jit3A_131, %max3A : i32
      %while3A_132 = arith.constant 0 : i32
      %while3A_133 = arith.constant 0 : i32
      %while3A_134 = arith.subi %min3A, %while3A_132 : i32
      %while3A_135 = arith.addi %while3A_132, %while3A_134 : i32
      %while3A_136 = arith.constant 1 : i32
      %while3A_137 = arith.divsi %while3A_134, %while3A_136 : i32
      %while3A_138 = arith.muli %while3A_137, %while3A_136 : i32
      %while3A_139 = arith.addi %while3A_132, %while3A_138 : i32
      %while3A_140 = arith.constant 1 : i32
      %while3A_141 = scf.for %while3A_145 = %while3A_132 to %while3A_139 step %while3A_140 iter_args(%while3A_146 = %while3A_133) -> (i32)  : i32 {
        %mul3A_147 = arith.constant 64 : i32
        %mul3A_148 = arith.muli %while3A_115, %mul3A_147 : i32
        %add3A_149 = arith.addi %mul3A_148, %while3A_145 : i32
        %get3A = arith.index_cast %add3A_149 : i32 to index
        %get3A_150 = tpu.vector_load %arg9[%get3A] {strides = array<i32>} : memref<4128xi32, #tpu.memory_space<vmem>>, vector<16xi32>,
        %slice3A = vector.extract_strided_slice %get3A_150 {offsets = [0], sizes = [1], strides = [1]} : vector<16xi32> to vector<1xi32>
        %squeeze3A = vector.extract %slice3A[0] : i32 from vector<1xi32>
        %get3A_151 = arith.index_cast %squeeze3A : i32 to index
        %get3A_152 = arith.constant 0 : index
        %get3A_153 = tpu.vector_load %arg14[%get3A_151, %get3A_152] {strides = array<i32>} : memref<320x128xf32, #tpu.memory_space<vmem>>, vector<16xf32>,
        %get3A_154 = arith.index_cast %while3A_145 : i32 to index
        %get3A_155 = arith.constant 0 : index
        %get3A_156 = tpu.vector_load %arg13[%get3A_154, %get3A_155] {strides = array<i32>} : memref<64x128xf32, #tpu.memory_space<vmem>>, vector<16xf32>,
        %min3A_157 = arith.minimumf %get3A_153, %get3A_156 : vector<16xf32>
        %swap3A_158 = arith.index_cast %squeeze3A : i32 to index
        %swap3A_159 = arith.constant 0 : index
        %swap3A_160 = tpu.vector_load %arg14[%swap3A_158, %swap3A_159] {strides = array<i32>} : memref<320x128xf32, #tpu.memory_space<vmem>>, vector<16xf32>,
        tpu.vector_store %arg14[%swap3A_158, %swap3A_159], %min3A_157 {strides = array<i32>} : memref<320x128xf32, #tpu.memory_space<vmem>>, vector<16xf32>,
        %get3A_161 = arith.index_cast %squeeze3A : i32 to index
        %get3A_162 = arith.constant 16 : index
        %get3A_163 = tpu.vector_load %arg14[%get3A_161, %get3A_162] {strides = array<i32>} : memref<320x128xf32, #tpu.memory_space<vmem>>, vector<16xf32>,
        %get3A_164 = arith.index_cast %while3A_145 : i32 to index
        %get3A_165 = arith.constant 16 : index
        %get3A_166 = tpu.vector_load %arg13[%get3A_164, %get3A_165] {strides = array<i32>} : memref<64x128xf32, #tpu.memory_space<vmem>>, vector<16xf32>,
        %min3A_167 = arith.minimumf %get3A_163, %get3A_166 : vector<16xf32>
        %swap3A_168 = arith.index_cast %squeeze3A : i32 to index
        %swap3A_169 = arith.constant 16 : index
        %swap3A_170 = tpu.vector_load %arg14[%swap3A_168, %swap3A_169] {strides = array<i32>} : memref<320x128xf32, #tpu.memory_space<vmem>>, vector<16xf32>,
        tpu.vector_store %arg14[%swap3A_168, %swap3A_169], %min3A_167 {strides = array<i32>} : memref<320x128xf32, #tpu.memory_space<vmem>>, vector<16xf32>,
        %get3A_171 = arith.index_cast %squeeze3A : i32 to index
        %get3A_172 = arith.constant 32 : index
        %get3A_173 = tpu.vector_load %arg14[%get3A_171, %get3A_172] {strides = array<i32>} : memref<320x128xf32, #tpu.memory_space<vmem>>, vector<16xf32>,
        %get3A_174 = arith.index_cast %while3A_145 : i32 to index
        %get3A_175 = arith.constant 32 : index
        %get3A_176 = tpu.vector_load %arg13[%get3A_174, %get3A_175] {strides = array<i32>} : memref<64x128xf32, #tpu.memory_space<vmem>>, vector<16xf32>,
        %min3A_177 = arith.minimumf %get3A_173, %get3A_176 : vector<16xf32>
        %swap3A_178 = arith.index_cast %squeeze3A : i32 to index
        %swap3A_179 = arith.constant 32 : index
        %swap3A_180 = tpu.vector_load %arg14[%swap3A_178, %swap3A_179] {strides = array<i32>} : memref<320x128xf32, #tpu.memory_space<vmem>>, vector<16xf32>,
        tpu.vector_store %arg14[%swap3A_178, %swap3A_179], %min3A_177 {strides = array<i32>} : memref<320x128xf32, #tpu.memory_space<vmem>>, vector<16xf32>,
        %get3A_181 = arith.index_cast %squeeze3A : i32 to index
        %get3A_182 = arith.constant 48 : index
        %get3A_183 = tpu.vector_load %arg14[%get3A_181, %get3A_182] {strides = array<i32>} : memref<320x128xf32, #tpu.memory_space<vmem>>, vector<16xf32>,
        %get3A_184 = arith.index_cast %while3A_145 : i32 to index
        %get3A_185 = arith.constant 48 : index
        %get3A_186 = tpu.vector_load %arg13[%get3A_184, %get3A_185] {strides = array<i32>} : memref<64x128xf32, #tpu.memory_space<vmem>>, vector<16xf32>,
        %min3A_187 = arith.minimumf %get3A_183, %get3A_186 : vector<16xf32>
        %swap3A_188 = arith.index_cast %squeeze3A : i32 to index
        %swap3A_189 = arith.constant 48 : index
        %swap3A_190 = tpu.vector_load %arg14[%swap3A_188, %swap3A_189] {strides = array<i32>} : memref<320x128xf32, #tpu.memory_space<vmem>>, vector<16xf32>,
        tpu.vector_store %arg14[%swap3A_188, %swap3A_189], %min3A_187 {strides = array<i32>} : memref<320x128xf32, #tpu.memory_space<vmem>>, vector<16xf32>,
        %get3A_191 = arith.index_cast %squeeze3A : i32 to index
        %get3A_192 = arith.constant 64 : index
        %get3A_193 = tpu.vector_load %arg14[%get3A_191, %get3A_192] {strides = array<i32>} : memref<320x128xf32, #tpu.memory_space<vmem>>, vector<16xf32>,
        %get3A_194 = arith.index_cast %while3A_145 : i32 to index
        %get3A_195 = arith.constant 64 : index
        %get3A_196 = tpu.vector_load %arg13[%get3A_194, %get3A_195] {strides = array<i32>} : memref<64x128xf32, #tpu.memory_space<vmem>>, vector<16xf32>,
        %min3A_197 = arith.minimumf %get3A_193, %get3A_196 : vector<16xf32>
        %swap3A_198 = arith.index_cast %squeeze3A : i32 to index
        %swap3A_199 = arith.constant 64 : index
        %swap3A_200 = tpu.vector_load %arg14[%swap3A_198, %swap3A_199] {strides = array<i32>} : memref<320x128xf32, #tpu.memory_space<vmem>>, vector<16xf32>,
        tpu.vector_store %arg14[%swap3A_198, %swap3A_199], %min3A_197 {strides = array<i32>} : memref<320x128xf32, #tpu.memory_space<vmem>>, vector<16xf32>,
        %get3A_201 = arith.index_cast %squeeze3A : i32 to index
        %get3A_202 = arith.constant 80 : index
        %get3A_203 = tpu.vector_load %arg14[%get3A_201, %get3A_202] {strides = array<i32>} : memref<320x128xf32, #tpu.memory_space<vmem>>, vector<16xf32>,
        %get3A_204 = arith.index_cast %while3A_145 : i32 to index
        %get3A_205 = arith.constant 80 : index
        %get3A_206 = tpu.vector_load %arg13[%get3A_204, %get3A_205] {strides = array<i32>} : memref<64x128xf32, #tpu.memory_space<vmem>>, vector<16xf32>,
        %min3A_207 = arith.minimumf %get3A_203, %get3A_206 : vector<16xf32>
        %swap3A_208 = arith.index_cast %squeeze3A : i32 to index
        %swap3A_209 = arith.constant 80 : index
        %swap3A_210 = tpu.vector_load %arg14[%swap3A_208, %swap3A_209] {strides = array<i32>} : memref<320x128xf32, #tpu.memory_space<vmem>>, vector<16xf32>,
        tpu.vector_store %arg14[%swap3A_208, %swap3A_209], %min3A_207 {strides = array<i32>} : memref<320x128xf32, #tpu.memory_space<vmem>>, vector<16xf32>,
        %get3A_211 = arith.index_cast %squeeze3A : i32 to index
        %get3A_212 = arith.constant 96 : index
        %get3A_213 = tpu.vector_load %arg14[%get3A_211, %get3A_212] {strides = array<i32>} : memref<320x128xf32, #tpu.memory_space<vmem>>, vector<16xf32>,
        %get3A_214 = arith.index_cast %while3A_145 : i32 to index
        %get3A_215 = arith.constant 96 : index
        %get3A_216 = tpu.vector_load %arg13[%get3A_214, %get3A_215] {strides = array<i32>} : memref<64x128xf32, #tpu.memory_space<vmem>>, vector<16xf32>,
        %min3A_217 = arith.minimumf %get3A_213, %get3A_216 : vector<16xf32>
        %swap3A_218 = arith.index_cast %squeeze3A : i32 to index
        %swap3A_219 = arith.constant 96 : index
        %swap3A_220 = tpu.vector_load %arg14[%swap3A_218, %swap3A_219] {strides = array<i32>} : memref<320x128xf32, #tpu.memory_space<vmem>>, vector<16xf32>,
        tpu.vector_store %arg14[%swap3A_218, %swap3A_219], %min3A_217 {strides = array<i32>} : memref<320x128xf32, #tpu.memory_space<vmem>>, vector<16xf32>,
        %get3A_221 = arith.index_cast %squeeze3A : i32 to index
        %get3A_222 = arith.constant 112 : index
        %get3A_223 = tpu.vector_load %arg14[%get3A_221, %get3A_222] {strides = array<i32>} : memref<320x128xf32, #tpu.memory_space<vmem>>, vector<16xf32>,
        %get3A_224 = arith.index_cast %while3A_145 : i32 to index
        %get3A_225 = arith.constant 112 : index
        %get3A_226 = tpu.vector_load %arg13[%get3A_224, %get3A_225] {strides = array<i32>} : memref<64x128xf32, #tpu.memory_space<vmem>>, vector<16xf32>,
        %min3A_227 = arith.minimumf %get3A_223, %get3A_226 : vector<16xf32>
        %swap3A_228 = arith.index_cast %squeeze3A : i32 to index
        %swap3A_229 = arith.constant 112 : index
        %swap3A_230 = tpu.vector_load %arg14[%swap3A_228, %swap3A_229] {strides = array<i32>} : memref<320x128xf32, #tpu.memory_space<vmem>>, vector<16xf32>,
        tpu.vector_store %arg14[%swap3A_228, %swap3A_229], %min3A_227 {strides = array<i32>} : memref<320x128xf32, #tpu.memory_space<vmem>>, vector<16xf32>,
        %while3A_231 = arith.constant 0 : i32
        scf.yield %while3A_231 : i32
      }
      %while3A_142 = arith.constant 1 : i32
      %while3A_143 = scf.for %while3A_145 = %while3A_139 to %while3A_135 step %while3A_142 iter_args(%while3A_146 = %while3A_141) -> (i32)  : i32 {
        %mul3A_147 = arith.constant 64 : i32
        %mul3A_148 = arith.muli %while3A_115, %mul3A_147 : i32
        %add3A_149 = arith.addi %mul3A_148, %while3A_145 : i32
        %get3A = arith.index_cast %add3A_149 : i32 to index
        %get3A_150 = tpu.vector_load %arg9[%get3A] {strides = array<i32>} : memref<4128xi32, #tpu.memory_space<vmem>>, vector<16xi32>,
        %slice3A = vector.extract_strided_slice %get3A_150 {offsets = [0], sizes = [1], strides = [1]} : vector<16xi32> to vector<1xi32>
        %squeeze3A = vector.extract %slice3A[0] : i32 from vector<1xi32>
        %get3A_151 = arith.index_cast %squeeze3A : i32 to index
        %get3A_152 = arith.constant 0 : index
        %get3A_153 = tpu.vector_load %arg14[%get3A_151, %get3A_152] {strides = array<i32>} : memref<320x128xf32, #tpu.memory_space<vmem>>, vector<16xf32>,
        %get3A_154 = arith.index_cast %while3A_145 : i32 to index
        %get3A_155 = arith.constant 0 : index
        %get3A_156 = tpu.vector_load %arg13[%get3A_154, %get3A_155] {strides = array<i32>} : memref<64x128xf32, #tpu.memory_space<vmem>>, vector<16xf32>,
        %min3A_157 = arith.minimumf %get3A_153, %get3A_156 : vector<16xf32>
        %swap3A_158 = arith.index_cast %squeeze3A : i32 to index
        %swap3A_159 = arith.constant 0 : index
        %swap3A_160 = tpu.vector_load %arg14[%swap3A_158, %swap3A_159] {strides = array<i32>} : memref<320x128xf32, #tpu.memory_space<vmem>>, vector<16xf32>,
        tpu.vector_store %arg14[%swap3A_158, %swap3A_159], %min3A_157 {strides = array<i32>} : memref<320x128xf32, #tpu.memory_space<vmem>>, vector<16xf32>,
        %get3A_161 = arith.index_cast %squeeze3A : i32 to index
        %get3A_162 = arith.constant 16 : index
        %get3A_163 = tpu.vector_load %arg14[%get3A_161, %get3A_162] {strides = array<i32>} : memref<320x128xf32, #tpu.memory_space<vmem>>, vector<16xf32>,
        %get3A_164 = arith.index_cast %while3A_145 : i32 to index
        %get3A_165 = arith.constant 16 : index
        %get3A_166 = tpu.vector_load %arg13[%get3A_164, %get3A_165] {strides = array<i32>} : memref<64x128xf32, #tpu.memory_space<vmem>>, vector<16xf32>,
        %min3A_167 = arith.minimumf %get3A_163, %get3A_166 : vector<16xf32>
        %swap3A_168 = arith.index_cast %squeeze3A : i32 to index
        %swap3A_169 = arith.constant 16 : index
        %swap3A_170 = tpu.vector_load %arg14[%swap3A_168, %swap3A_169] {strides = array<i32>} : memref<320x128xf32, #tpu.memory_space<vmem>>, vector<16xf32>,
        tpu.vector_store %arg14[%swap3A_168, %swap3A_169], %min3A_167 {strides = array<i32>} : memref<320x128xf32, #tpu.memory_space<vmem>>, vector<16xf32>,
        %get3A_171 = arith.index_cast %squeeze3A : i32 to index
        %get3A_172 = arith.constant 32 : index
        %get3A_173 = tpu.vector_load %arg14[%get3A_171, %get3A_172] {strides = array<i32>} : memref<320x128xf32, #tpu.memory_space<vmem>>, vector<16xf32>,
        %get3A_174 = arith.index_cast %while3A_145 : i32 to index
        %get3A_175 = arith.constant 32 : index
        %get3A_176 = tpu.vector_load %arg13[%get3A_174, %get3A_175] {strides = array<i32>} : memref<64x128xf32, #tpu.memory_space<vmem>>, vector<16xf32>,
        %min3A_177 = arith.minimumf %get3A_173, %get3A_176 : vector<16xf32>
        %swap3A_178 = arith.index_cast %squeeze3A : i32 to index
        %swap3A_179 = arith.constant 32 : index
        %swap3A_180 = tpu.vector_load %arg14[%swap3A_178, %swap3A_179] {strides = array<i32>} : memref<320x128xf32, #tpu.memory_space<vmem>>, vector<16xf32>,
        tpu.vector_store %arg14[%swap3A_178, %swap3A_179], %min3A_177 {strides = array<i32>} : memref<320x128xf32, #tpu.memory_space<vmem>>, vector<16xf32>,
        %get3A_181 = arith.index_cast %squeeze3A : i32 to index
        %get3A_182 = arith.constant 48 : index
        %get3A_183 = tpu.vector_load %arg14[%get3A_181, %get3A_182] {strides = array<i32>} : memref<320x128xf32, #tpu.memory_space<vmem>>, vector<16xf32>,
        %get3A_184 = arith.index_cast %while3A_145 : i32 to index
        %get3A_185 = arith.constant 48 : index
        %get3A_186 = tpu.vector_load %arg13[%get3A_184, %get3A_185] {strides = array<i32>} : memref<64x128xf32, #tpu.memory_space<vmem>>, vector<16xf32>,
        %min3A_187 = arith.minimumf %get3A_183, %get3A_186 : vector<16xf32>
        %swap3A_188 = arith.index_cast %squeeze3A : i32 to index
        %swap3A_189 = arith.constant 48 : index
        %swap3A_190 = tpu.vector_load %arg14[%swap3A_188, %swap3A_189] {strides = array<i32>} : memref<320x128xf32, #tpu.memory_space<vmem>>, vector<16xf32>,
        tpu.vector_store %arg14[%swap3A_188, %swap3A_189], %min3A_187 {strides = array<i32>} : memref<320x128xf32, #tpu.memory_space<vmem>>, vector<16xf32>,
        %get3A_191 = arith.index_cast %squeeze3A : i32 to index
        %get3A_192 = arith.constant 64 : index
        %get3A_193 = tpu.vector_load %arg14[%get3A_191, %get3A_192] {strides = array<i32>} : memref<320x128xf32, #tpu.memory_space<vmem>>, vector<16xf32>,
        %get3A_194 = arith.index_cast %while3A_145 : i32 to index
        %get3A_195 = arith.constant 64 : index
        %get3A_196 = tpu.vector_load %arg13[%get3A_194, %get3A_195] {strides = array<i32>} : memref<64x128xf32, #tpu.memory_space<vmem>>, vector<16xf32>,
        %min3A_197 = arith.minimumf %get3A_193, %get3A_196 : vector<16xf32>
        %swap3A_198 = arith.index_cast %squeeze3A : i32 to index
        %swap3A_199 = arith.constant 64 : index
        %swap3A_200 = tpu.vector_load %arg14[%swap3A_198, %swap3A_199] {strides = array<i32>} : memref<320x128xf32, #tpu.memory_space<vmem>>, vector<16xf32>,
        tpu.vector_store %arg14[%swap3A_198, %swap3A_199], %min3A_197 {strides = array<i32>} : memref<320x128xf32, #tpu.memory_space<vmem>>, vector<16xf32>,
        %get3A_201 = arith.index_cast %squeeze3A : i32 to index
        %get3A_202 = arith.constant 80 : index
        %get3A_203 = tpu.vector_load %arg14[%get3A_201, %get3A_202] {strides = array<i32>} : memref<320x128xf32, #tpu.memory_space<vmem>>, vector<16xf32>,
        %get3A_204 = arith.index_cast %while3A_145 : i32 to index
        %get3A_205 = arith.constant 80 : index
        %get3A_206 = tpu.vector_load %arg13[%get3A_204, %get3A_205] {strides = array<i32>} : memref<64x128xf32, #tpu.memory_space<vmem>>, vector<16xf32>,
        %min3A_207 = arith.minimumf %get3A_203, %get3A_206 : vector<16xf32>
        %swap3A_208 = arith.index_cast %squeeze3A : i32 to index
        %swap3A_209 = arith.constant 80 : index
        %swap3A_210 = tpu.vector_load %arg14[%swap3A_208, %swap3A_209] {strides = array<i32>} : memref<320x128xf32, #tpu.memory_space<vmem>>, vector<16xf32>,
        tpu.vector_store %arg14[%swap3A_208, %swap3A_209], %min3A_207 {strides = array<i32>} : memref<320x128xf32, #tpu.memory_space<vmem>>, vector<16xf32>,
        %get3A_211 = arith.index_cast %squeeze3A : i32 to index
        %get3A_212 = arith.constant 96 : index
        %get3A_213 = tpu.vector_load %arg14[%get3A_211, %get3A_212] {strides = array<i32>} : memref<320x128xf32, #tpu.memory_space<vmem>>, vector<16xf32>,
        %get3A_214 = arith.index_cast %while3A_145 : i32 to index
        %get3A_215 = arith.constant 96 : index
        %get3A_216 = tpu.vector_load %arg13[%get3A_214, %get3A_215] {strides = array<i32>} : memref<64x128xf32, #tpu.memory_space<vmem>>, vector<16xf32>,
        %min3A_217 = arith.minimumf %get3A_213, %get3A_216 : vector<16xf32>
        %swap3A_218 = arith.index_cast %squeeze3A : i32 to index
        %swap3A_219 = arith.constant 96 : index
        %swap3A_220 = tpu.vector_load %arg14[%swap3A_218, %swap3A_219] {strides = array<i32>} : memref<320x128xf32, #tpu.memory_space<vmem>>, vector<16xf32>,
        tpu.vector_store %arg14[%swap3A_218, %swap3A_219], %min3A_217 {strides = array<i32>} : memref<320x128xf32, #tpu.memory_space<vmem>>, vector<16xf32>,
        %get3A_221 = arith.index_cast %squeeze3A : i32 to index
        %get3A_222 = arith.constant 112 : index
        %get3A_223 = tpu.vector_load %arg14[%get3A_221, %get3A_222] {strides = array<i32>} : memref<320x128xf32, #tpu.memory_space<vmem>>, vector<16xf32>,
        %get3A_224 = arith.index_cast %while3A_145 : i32 to index
        %get3A_225 = arith.constant 112 : index
        %get3A_226 = tpu.vector_load %arg13[%get3A_224, %get3A_225] {strides = array<i32>} : memref<64x128xf32, #tpu.memory_space<vmem>>, vector<16xf32>,
        %min3A_227 = arith.minimumf %get3A_223, %get3A_226 : vector<16xf32>
        %swap3A_228 = arith.index_cast %squeeze3A : i32 to index
        %swap3A_229 = arith.constant 112 : index
        %swap3A_230 = tpu.vector_load %arg14[%swap3A_228, %swap3A_229] {strides = array<i32>} : memref<320x128xf32, #tpu.memory_space<vmem>>, vector<16xf32>,
        tpu.vector_store %arg14[%swap3A_228, %swap3A_229], %min3A_227 {strides = array<i32>} : memref<320x128xf32, #tpu.memory_space<vmem>>, vector<16xf32>,
        %while3A_231 = arith.constant 0 : i32
        scf.yield %while3A_231 : i32
      }
      %while3A_144 = arith.constant 0 : i32
      scf.yield %while3A_144 : i32
    }
    %mul3A_113 = arith.constant 320 : i32
    %mul3A_114 = arith.muli %add3A, %mul3A_113 : i32
    "tpu.region"() ({
      %run_scoped3A = tpu.sem_alloc : memref<!tpu.dma_semaphore, #tpu.memory_space<semaphore_mem>>
      %dma_start3A_115 = arith.constant 0 : i32
      %dma_start3A_116 = tpu.memref_slice %arg5[%mul3A_114, %dma_start3A_115] : memref<10240x128xf32, #tpu.memory_space<hbm>> -> memref<320x128xf32, #tpu.memory_space<hbm>>
      %dma_start3A_117 = arith.constant 0 : i32
      %dma_start3A_118 = tpu.memref_slice %arg5[%mul3A_114, %dma_start3A_117] : memref<10240x128xf32, #tpu.memory_space<hbm>> -> memref<320x128xf32, #tpu.memory_space<hbm>>
      tpu.enqueue_dma source(%arg14 : memref<320x128xf32, #tpu.memory_space<vmem>>) target(%dma_start3A_118 : memref<320x128xf32, #tpu.memory_space<hbm>>) target_semaphore(%run_scoped3A : memref<!tpu.dma_semaphore, #tpu.memory_space<semaphore_mem>>)
      %dma_wait3A_119 = arith.constant 0 : i32
      %dma_wait3A_120 = tpu.memref_slice %arg5[%mul3A_114, %dma_wait3A_119] : memref<10240x128xf32, #tpu.memory_space<hbm>> -> memref<320x128xf32, #tpu.memory_space<hbm>>
      %dma_wait3A_121 = arith.constant 0 : i32
      %dma_wait3A_122 = tpu.memref_slice %arg5[%mul3A_114, %dma_wait3A_121] : memref<10240x128xf32, #tpu.memory_space<hbm>> -> memref<320x128xf32, #tpu.memory_space<hbm>>
      tpu.wait_dma2 semaphore(%run_scoped3A : memref<!tpu.dma_semaphore, #tpu.memory_space<semaphore_mem>>) src(%arg14 : memref<320x128xf32, #tpu.memory_space<vmem>>) dst(%dma_wait3A_122 : memref<320x128xf32, #tpu.memory_space<hbm>>)
      tpu.yield
    }) : () -> ()
    return
  }
}

module attributes {stable_mosaic.version = 14 : i64} {
  func.func @body(%arg0: i32, %arg1: memref<1000x128xf32, #tpu.memory_space<vmem>>, %arg2: memref<1000x128xf32, #tpu.memory_space<vmem>>, %arg3: memref<128x128xf32, #tpu.memory_space<vmem>>, %arg4: memref<128x128xf32, #tpu.memory_space<vmem>>, %arg5: memref<1x128xf32, #tpu.memory_space<vmem>>, %arg6: memref<1000x128xf32, #tpu.memory_space<vmem>>) attributes {dimension_semantics = [#tpu.dimension_semantics<arbitrary>], iteration_bounds = array<i64: 10>, scalar_prefetch = 0 : i64, scratch_operands = 0 : i64, tpu.core_type = #tpu.core_type<tc>, window_params = [{transform_indices = @transform_0, window_bounds = array<i64: 1000, 128>}, {transform_indices = @transform_1, window_bounds = array<i64: 1000, 128>}, {pipeline_mode = #tpu.pipeline_mode<synchronous>, transform_indices = @transform_2, window_bounds = array<i64: 128, 128>}, {pipeline_mode = #tpu.pipeline_mode<synchronous>, transform_indices = @transform_3, window_bounds = array<i64: 128, 128>}, {pipeline_mode = #tpu.pipeline_mode<synchronous>, transform_indices = @transform_4, window_bounds = array<i64: 1, 128>}, {transform_indices = @transform_5, window_bounds = array<i64: 1000, 128>}]} {
    %get3A = arith.constant 0 : index
    %get3A_0 = arith.constant 0 : index
    %get3A_1 = vector.load %arg1[%get3A, %get3A_0] : memref<1000x128xf32, #tpu.memory_space<vmem>>, vector<1000x128xf32>
    %get3A_2 = arith.constant 0 : index
    %get3A_3 = arith.constant 0 : index
    %get3A_4 = vector.load %arg2[%get3A_2, %get3A_3] : memref<1000x128xf32, #tpu.memory_space<vmem>>, vector<1000x128xf32>
    %eq3A = arith.constant 0x7F800000 : f32
    %eq3A_5 = vector.broadcast %eq3A : f32 to vector<1000x128xf32>
    %eq3A_6 = arith.cmpf oeq, %get3A_4, %eq3A_5 : vector<1000x128xf32>
    %sub3A = arith.subf %get3A_1, %get3A_4 : vector<1000x128xf32>
    %jit3A = arith.constant 0.000000e+00 : f32
    %broadcast_in_dim3A = vector.broadcast %jit3A : f32 to vector<1000x128xf32>
    %select_n3A = arith.select %eq3A_6, %broadcast_in_dim3A, %sub3A : vector<1000x128xi1>, vector<1000x128xf32>
    %get3A_7 = arith.constant 0 : index
    %get3A_8 = arith.constant 0 : index
    %get3A_9 = vector.load %arg3[%get3A_7, %get3A_8] : memref<128x128xf32, #tpu.memory_space<vmem>>, vector<128x128xf32>
    %dot_general3A = arith.constant dense<0.000000e+00> : vector<1000x128xf32>
    %dot_general3A_10 = tpu.matmul %get3A_1, %get3A_9, %dot_general3A {dimension_numbers = #tpu.dot_dimension_numbers<[1], [0], [0], [1], [0, 0, 1, 1], [], []>, transpose_lhs_hint = false} : vector<1000x128xf32>, vector<128x128xf32>, vector<1000x128xf32> -> vector<1000x128xf32>
    %get3A_11 = arith.constant 0 : index
    %get3A_12 = arith.constant 0 : index
    %get3A_13 = vector.load %arg4[%get3A_11, %get3A_12] : memref<128x128xf32, #tpu.memory_space<vmem>>, vector<128x128xf32>
    %dot_general3A_14 = arith.constant dense<0.000000e+00> : vector<1000x128xf32>
    %dot_general3A_15 = tpu.matmul %select_n3A, %get3A_13, %dot_general3A_14 {dimension_numbers = #tpu.dot_dimension_numbers<[1], [0], [0], [1], [0, 0, 1, 1], [], []>, transpose_lhs_hint = false} : vector<1000x128xf32>, vector<128x128xf32>, vector<1000x128xf32> -> vector<1000x128xf32>
    %add3A = arith.addf %dot_general3A_10, %dot_general3A_15 : vector<1000x128xf32>
    %get3A_16 = arith.constant 0 : index
    %get3A_17 = arith.constant 0 : index
    %get3A_18 = vector.load %arg5[%get3A_16, %get3A_17] : memref<1x128xf32, #tpu.memory_space<vmem>>, vector<1x128xf32>
    %add3A_19 = vector.broadcast %get3A_18 : vector<1x128xf32> to vector<1000x128xf32>
    %add3A_20 = arith.addf %add3A, %add3A_19 : vector<1000x128xf32>
    %max3A = arith.constant 0.000000e+00 : f32
    %max3A_21 = vector.broadcast %max3A : f32 to vector<1000x128xf32>
    %max3A_22 = arith.maximumf %add3A_20, %max3A_21 : vector<1000x128xf32>
    %add3A_23 = arith.addf %get3A_1, %max3A_22 : vector<1000x128xf32>
    %swap3A = arith.constant 0 : index
    %swap3A_24 = arith.constant 0 : index
    %swap3A_25 = vector.load %arg6[%swap3A, %swap3A_24] : memref<1000x128xf32, #tpu.memory_space<vmem>>, vector<1000x128xf32>
    tpu.vector_store %arg6[%swap3A, %swap3A_24], %add3A_23 {strides = array<i32>} : memref<1000x128xf32, #tpu.memory_space<vmem>>, vector<1000x128xf32>,
    return
  }
  func.func @transform_0(%arg0: i32) -> (i32, i32) {
    %c0_i32 = arith.constant 0 : i32
    %c0_i32_0 = arith.constant 0 : i32
    return %arg0, %c0_i32 : i32, i32
  }
  func.func @transform_1(%arg0: i32) -> (i32, i32) {
    %c0_i32 = arith.constant 0 : i32
    %c0_i32_0 = arith.constant 0 : i32
    return %arg0, %c0_i32 : i32, i32
  }
  func.func @transform_2(%arg0: i32) -> (i32, i32) {
    %c0_i32 = arith.constant 0 : i32
    %c0_i32_0 = arith.constant 0 : i32
    %c0_i32_1 = arith.constant 0 : i32
    return %c0_i32, %c0_i32_0 : i32, i32
  }
  func.func @transform_3(%arg0: i32) -> (i32, i32) {
    %c0_i32 = arith.constant 0 : i32
    %c0_i32_0 = arith.constant 0 : i32
    %c0_i32_1 = arith.constant 0 : i32
    return %c0_i32, %c0_i32_0 : i32, i32
  }
  func.func @transform_4(%arg0: i32) -> (i32, i32) {
    %c0_i32 = arith.constant 0 : i32
    %c0_i32_0 = arith.constant 0 : i32
    %c0_i32_1 = arith.constant 0 : i32
    return %c0_i32, %c0_i32_0 : i32, i32
  }
  func.func @transform_5(%arg0: i32) -> (i32, i32) {
    %c0_i32 = arith.constant 0 : i32
    %c0_i32_0 = arith.constant 0 : i32
    return %arg0, %c0_i32 : i32, i32
  }
}

</mosaic_0001>

<sc_bundles>
// kernel: kernel.4.cloned.1.call-start
scs
__scs_entry_jumppad:
0x0: {  	(pc) =	sbr.rel $0x88, $3  }
0x1: {  	(tag) =	ssettag $0x0;
	lr =	simm.s32 $0x1  }
0x2: {  	[smem:$0x3F9D] =	sst lr;
	_ =	strace $0xD0000000  }
0x3: {  	_ = 	snop  }
0x4: {  	_ = 	snop  }
0x5: {  	_ = 	snop  }
0x6: {  	_ = 	snop  }
0x7: {  	_ = 	snop  }
__scs_overlays_trampoline_lowered:
0x8: {  	[smem:$0x3FAC] =	sst s0  }
0x9: {  	[smem:$0x3FAD] =	sst s1  }
0xa: {  	[smem:$0x3FAE] =	sst s2  }
0xb: {  	[smem:$0x3FAF] =	sst s3  }
0xc: {  	[smem:$0x3FB0] =	sst s4  }
0xd: {  	[smem:$0x3FB1] =	sst s5  }
0xe: {  	[smem:$0x3FB2] =	sst s6  }
0xf: {  	[smem:$0x3FB3] =	sst s7  }
0x10: {  	[smem:$0x3FB4] =	sst s8  }
0x11: {  	[smem:$0x3FB5] =	sst s9;
	s0 =	simm.s32 @!p0 $0x0  }
0x12: {  	s1 =	sld [smem:$0x3F9B];
	s0 =	simm.s32 @p0 $0x1  }
0x13: {  	[smem:$0x3FB6] =	sst s0;
	s0 =	simm.s32 @!p1 $0x0  }
0x14: {  	s2 =	sld [smem:$0x3F9A];
	s0 =	simm.s32 @p1 $0x1  }
0x15: {  	[smem:$0x3FB7] =	sst s0;
	s0 =	simm.s32 @!p2 $0x0  }
0x16: {  	s3 =	sld [smem:$0x3FDB];
	s0 =	simm.s32 @p2 $0x1  }
0x17: {  	s4 =	simm.s32 $0x1BF5;
	[smem:$0x3FB9] =	sst s0  }
0x18: {  	s0 =	sld [smem:$0x3F9C];
	_ =	swait.ge [sflag:s4], $0x0  }
0x19: {  	s7 =	sld [smem:$0x3F9D]  }
0x1a: {  	s8 =	sadd.s32 $0xFFFFE003, lr  }
0x1b: {  	s9 =	sadd.s32 $0xFFFFFEF7, lr;
	s5 =	simm.s32 $0xFFFFFFFF;
	p2 =	slt.u32 s8, $0xFFFFF086  }
0x1c: {  	p1 =	slt.u32 s9, $0xF7A;
	s5 =	simm.s32 @!p2 $0x0  }
0x1d: {  	s5 =	simm.s32 @p1 $0x1;
	p0 =	seq.s32 s7, s2  }
0x1e: {  	s7 =	smul.u32 @!p0 $0xF7A, s2;
	p2 =	seq.s32 @!p0 s5, $0x0  }
0x1f: {  	s9 =	smul.u32 $0xF7A, s1;
	s8 =	simm.s32 @!p0 $0x1BF5;
	p2 =	por !p2, p0  }
0x20: {  	[sflag:s8] =	ssyncset.s32 @!p0 $0xFFFFF086;
	s6 =	sadd.s32 @!p0 s3, s7;
	s7 =	simm.s32 @!p0 $0x108  }
0x21: {  	s3 =	sadd.s32 s3, s9;
	s6 =	sadd.s32 @!p0 $0x88, s6;
	s7 =	simm.s32 @p2 $0x1082  }
0x22: {  	[simem:s7], [sflag:s8] =	dma.local @!p0 [hbm:s6], $0xF7A  }
0x23: {  	s9 =	sor.u32 $0xD0000000, s2;
	s6 =	simm.s32 $0x108;
	_ =	swait.ge @!p0 [sflag:s8], $0x0  }
0x24: {  	s3 =	sadd.s32 $0x88, s3;
	s6 =	simm.s32 @!p1 $0x1082;
	[sflag:s4] =	ssyncset.s32 $0xFFFFF086  }
0x25: {  	[simem:s6], [sflag:s4] =	dma.local [hbm:s3], $0xF7A  }
0x26: {  	[smem:$0x3F9D] =	sst s1;
	(tag) =	ssettag s2;
	_ =	strace s9  }
0x27: {  	s1 =	sld [smem:$0x3FAD]  }
0x28: {  	s2 =	sld [smem:$0x3FAE]  }
0x29: {  	s4 =	sld [smem:$0x3FB0]  }
0x2a: {  	p0 =	seq.s32 s5, $0x0;
	s5 =	sld [smem:$0x3FB1]  }
0x2b: {  	s6 =	sld [smem:$0x3FB2]  }
0x2c: {  	s7 =	sld [smem:$0x3FB3]  }
0x2d: {  	s3 =	simm.s32 $0x108;
	s8 =	sld [smem:$0x3FB4]  }
0x2e: {  	s3 =	simm.s32 @!p0 $0x1082;
	s9 =	sld [smem:$0x3FB5]  }
0x2f: {  	lr =	sadd.s32 s0, s3;
	s0 =	sld [smem:$0x3FAC]  }
0x30: {  	s3 =	sld [smem:$0x3FAF]  }
0x31: {  	[smem:$0x3FB8] =	sst s10  }
0x32: {  	s10 =	sld [smem:$0x3FB6];
	_ =	sdelay $0x3  }
0x33: {  	p0 =	seq.s32 s10, $0x1;
	s10 =	sld [smem:$0x3FB8];
	_ =	sdelay $0x3  }
0x34: {  	[smem:$0x3FB8] =	sst s10  }
0x35: {  	s10 =	sld [smem:$0x3FB7];
	_ =	sdelay $0x3  }
0x36: {  	p1 =	seq.s32 s10, $0x1;
	s10 =	sld [smem:$0x3FB8];
	_ =	sdelay $0x3  }
0x37: {  	[smem:$0x3FB8] =	sst s10  }
0x38: {  	s10 =	sld [smem:$0x3FB9]  }
0x39: {  	_ = 	snop;
	(pc) =	sbr.ind lr, $3  }
0x3a: {  	_ = 	snop  }
0x3b: {  	_ = 	snop  }
0x3c: {  	p2 =	seq.s32 s10, $0x1;
	s10 =	sld [smem:$0x3FB8]  }
0x3d: {  	_ =	shalt  }
0x3e: {  	_ =	shalt  }
0x3f: {  	_ =	shalt  }
0x40: {  	_ =	shalt  }
0x41: {  	_ =	shalt  }
0x42: {  	_ =	shalt  }
0x43: {  	_ =	shalt  }
0x44: {  	_ =	shalt  }
0x45: {  	_ =	shalt  }
0x46: {  	_ =	shalt  }
0x47: {  	_ =	shalt  }
0x48: {  	_ =	shalt  }
0x49: {  	_ =	shalt  }
0x4a: {  	_ =	shalt  }
0x4b: {  	_ =	shalt  }
0x4c: {  	_ =	shalt  }
0x4d: {  	_ =	shalt  }
0x4e: {  	_ =	shalt  }
0x4f: {  	_ =	shalt  }
0x50: {  	_ =	shalt  }
0x51: {  	_ =	shalt  }
0x52: {  	_ =	shalt  }
0x53: {  	_ =	shalt  }
0x54: {  	_ =	shalt  }
0x55: {  	_ =	shalt  }
0x56: {  	_ =	shalt  }
0x57: {  	_ =	shalt  }
0x58: {  	_ =	shalt  }
0x59: {  	_ =	shalt  }
0x5a: {  	_ =	shalt  }
0x5b: {  	_ =	shalt  }
0x5c: {  	_ =	shalt  }
0x5d: {  	_ =	shalt  }
0x5e: {  	_ =	shalt  }
0x5f: {  	_ =	shalt  }
0x60: {  	_ =	shalt  }
0x61: {  	_ =	shalt  }
0x62: {  	_ =	shalt  }
0x63: {  	_ =	shalt  }
0x64: {  	_ =	shalt  }
0x65: {  	_ =	shalt  }
0x66: {  	_ =	shalt  }
0x67: {  	_ =	shalt  }
0x68: {  	_ =	shalt  }
0x69: {  	_ =	shalt  }
0x6a: {  	_ =	shalt  }
0x6b: {  	_ =	shalt  }
0x6c: {  	_ =	shalt  }
0x6d: {  	_ =	shalt  }
0x6e: {  	_ =	shalt  }
0x6f: {  	_ =	shalt  }
0x70: {  	_ =	shalt  }
0x71: {  	_ =	shalt  }
0x72: {  	_ =	shalt  }
0x73: {  	_ =	shalt  }
0x74: {  	_ =	shalt  }
0x75: {  	_ =	shalt  }
0x76: {  	_ =	shalt  }
0x77: {  	_ =	shalt  }
0x78: {  	_ =	shalt  }
0x79: {  	_ =	shalt  }
0x7a: {  	_ =	shalt  }
0x7b: {  	_ =	shalt  }
0x7c: {  	_ =	shalt  }
0x7d: {  	_ =	shalt  }
0x7e: {  	_ =	shalt  }
0x7f: {  	_ =	shalt  }
0x80: {  	_ =	shalt  }
0x81: {  	_ =	shalt  }
0x82: {  	_ =	shalt  }
0x83: {  	_ =	shalt  }
0x84: {  	_ =	shalt  }
0x85: {  	_ =	shalt  }
0x86: {  	_ =	shalt  }
0x87: {  	_ =	shalt  }
.Lfunc_end0:
.L_simem_size_0:
called_computation_lowered:
.L_overlay_start_0:
0x88: {  	s2 =	sld [smem:$0x3FD9]  }
0x89: {  	s3 =	sld [smem:$0x3FFE];
	_ =	sdelay $0x1  }
0x8a: {  	s1 =	srdreg.scid  }
0x8b: {  	s0 =	sand.u32 $0x1, s1  }
0x8c: {  	s17 =	sshll.u32 s0, $0xA;
	s2 =	sadd.s32 s3, s2  }
0x8d: {  	s2 =	sadd.s32 s2, s17  }
0x8e: {  	[smem:$0x3FC4] =	sst s2  }
0x8f: {  	_ = 	snop  }
0x90: {  	s2 =	sld [smem:$0x3FC9]  }
0x91: {  	s18 =	sld [smem:$0x3FD0];
	(tm) =	ssettm $0x1  }
0x92: {  	s4 =	sld [smem:$0x3FFB];
	_ =	sdelay $0x3  }
0x93: {  	_ =	strace s4  }
0x94: {  	s4 =	sld [smem:$0x3FFC];
	_ =	sdelay $0x3  }
0x95: {  	_ =	strace s4  }
0x96: {  	s4 =	sld [smem:$0x3FFD];
	_ =	sdelay $0x3  }
0x97: {  	_ =	strace s4  }
0x98: {  	_ =	strace $0x8FFFFFFF  }
0x99: {  	s19 =	sld [smem:$0x3FDB];
	_ =	sdelay $0x1  }
0x9a: {  	s5 =	simm.s32 $_scs_section_size  }
0x9b: {  	s6 =	simm.s32 $_size__tile_overlayer_lowered;
	s7 =	simm.s32 $_tile_overlayer_lowered  }
0x9c: {  	s22 =	simm.s32 $0x1BFF;
	s21 =	sshll.u32 s7, $0x1;
	s4 =	sadd.s32 s5, s19  }
0x9d: {  	s8 =	simm.s32 $0x0;
	s20 =	sshll.u32 s6, $0x1;
	s6 =	sadd.s32 s21, s4  }
0x9e: {  	[timem:s8], [sflag:s22] =	dma.local [hbm:s6], s20  }
0x9f: {  	_ =	swait.ge [sflag:s22], s20  }
0xa0: {  	s5 =	ssub.s32 $0x0, s20;
	[sflag:s22] =	ssyncset.done $0x0  }
0xa1: {  	[sflag:s22] =	ssyncadd.s32 s5;
	_ =	sdelay $0x1  }
0xa2: {  	s23 =	simm.s32 $0x1B8B  }
0xa3: {  	_ =	swait.ge [sflag:s23], $0x1  }
0xa4: {  	[sflag:s23] =	ssyncset.done $0x0  }
0xa5: {  	s25 =	simm.s32 $0x1B8E;
	s24 =	sld [smem:$0x3FFE];
	[sflag:s23] =	ssyncadd.s32 $0xFFFFFFFF  }
0xa6: {  	s26 =	simm.s32 $execute0_lowered;
	[smem:$0x3FD2] =	sst s25  }
0xa7: {  	s6 =	sshll.u32 s26, $0x1;
	_ =	strace $0x80000046;
	[dreg:$0x1] =	wrdreg $0xFFFFFFFF  }
0xa8: {  	s28 =	simm.s32 $_size_execute0_lowered;
	s4 =	sadd.s32 s4, s6;
	[dreg:$0x0] =	wrdreg $0x0  }
0xa9: {  	s6 =	sshll.u32 s28, $0x1;
	[dreg:$0x2] =	wrdreg s4  }
0xaa: {  	[dreg:$0x3] =	wrdreg s6  }
0xab: {  	[dreg:$0x4] =	wrdreg $0xC0  }
0xac: {  	_ =	task [dreg:s8], $0x5FFFF  }
0xad: {  	[dreg:$0x1] =	wrdreg $0xFFFFFFFF  }
0xae: {  	[dreg:$0x0] =	wrdreg $0x60  }
0xaf: {  	[dreg:$0x2] =	wrdreg s24  }
0xb0: {  	[dreg:$0x3] =	wrdreg s18  }
0xb1: {  	[dreg:$0x4] =	wrdreg s2  }
0xb2: {  	[dreg:$0x5] =	wrdreg $0x9  }
0xb3: {  	_ =	task.clear_ibuf [dreg:s8], $0x6FFFF;
	_ =	strace $0x90000046  }
0xb4: {  	s29 =	simm.s32 $0x9;
	_ =	strace $0x80000048  }
0xb5: {  	_ =	swait.ge [sflag:s29], $0x1  }
0xb6: {  	[sflag:s29] =	ssyncadd.s32 $0xFFFFFFFF  }
0xb7: {  	_ =	strace $0x90000048  }
0xb8: {  	_ =	sfence  }
0xb9: {  	s30 =	sld [smem:$0x0];
	_ =	sdelay $0x2  }
0xba: {  	s31 =	sshll.u32 s1, $0xD;
	s1 =	sshrl.u32 s1, $0x2  }
0xbb: {  	s3 =	sand.u32 $0x4000, s31;
	s1 =	sadd.s32 s1, s30  }
0xbc: {  	s0 =	sor.u32 s3, s0;
	s1 =	sshll.u32 s1, $0x11  }
0xbd: {  	s0 =	sor.u32 s1, s0  }
0xbe: {  	s0 =	sadd.s32 $0x8F2B, s0  }
0xbf: {  	[sflag:s0] =	ssyncadd.remote.s32 $0x1  }
0xc0: {  	_ =	sfence.sel $0xFFFF  }
0xc1: {  	[dreg:$0x0] =	wrdreg $0xFFFFFFFF;
	(pc) =	sbr.abs _section_cstart, $3  }
0xc2: {  	[dreg:$0x1] =	wrdreg $0xFFFFFFFF  }
0xc3: {  	_ =	task.clear_ibuf [dreg:s8], $0x2FFFF;
	_ =	strace $0x9FFFFFFF  }
0xc4: {  	(tm) =	ssettm $0x7FFFFFFF  }
0xc5: {  	_ =	shalt  }
tec
execute0_lowered:
.L_overlay_start_1:
0x0: {  	(tag) =	ssettag $0x1  }
0x1: {  	s6 =	rddreg [dreg:$0x0]  }
0x2: {  	s2 =	rddreg [dreg:$0x1];
	s1 =	srdreg.scid  }
0x3: {  	s0 =	stileid.u32;
	s3 =	rddreg [dreg:$0x2]  }
0x4: {  	s4 =	simm.s32 $0x0;
	s11 =	simm.s32 $0x800;
	s12 =	simm.s32 $0x3  }
0x5: {  	s13 =	simm.s32 $0x1000;
	s14 =	simm.s32 $0x2080;
	s15 =	simm.s32 $0x1  }
0x6: {  	s16 =	simm.s32 $0x5200;
	s17 =	simm.s32 $0x2;
	s19 =	simm.s32 $0x4  }
0x7: {  	s5 =	sand.u32 $0x1, s1;
	s7 =	sshll.u32 s0, $0x1;
	s1 =	rddreg [dreg:$0x3]  }
0x8: {  	s20 =	simm.s32 $0x0;
	[smem:$0x7FF] =	sst s4;
	s7 =	sor.u32 s5, s7  }
.Ltmp0:
0x9: {  	s9 =	ssub.s32 $0x2, s5;
	_ =	strace $0x80000047;
	(pc) =	sbr.rel .LBB2_1-.Ltmp0, $4  }
0xa: {  	s5 =	sadd.s32 $0xA00, s6;
	s8 =	smul.u32 $0x1400, s7;
	s10 =	sshrl.u32 s9, $0x1  }
0xb: {  	s18 =	smul.u32 $0xFFFFFEC0, s7;
	s31 =	ssub.s32 s9, s10;
	s9 =	simm.s32 $0x3100  }
0xc: {  	s10 =	simm.s32 $0x3200;
	s6 =	sadd.s32 s8, s6;
	s7 =	smax.u32 s31, $0x1  }
0xd: {  	v1 =	vimm.f32 $+Inf;
	v2 =	vimm.s32 $0x0;
	s8 =	simm.s32 $0x40;
	v0 =	vmov s18;
	s18 =	simm.s32 $0x7200;
	s6 =	sadd.s32 $0xA800, s6  }
.LBB2_39:
0xe: {  	s20 =	sadd.s32 $0x1, s20  }
0xf: {  	p0 =	sne.s32 s20, s7  }
.Ltmp1:
0x10: {  	_ = 	snop;
	(pc) =	sbr.rel @!p0 .LBB2_40-.Ltmp1, $4  }
0x11: {  	[hbm4b:s6+s4] =	stream.linear.scatter [tilespmem:s18], [sflag:$0x4], $0xA000, $0x38;
	[tilespmem:$0x11200] =	vst v63  }
0x12: {  	_ =	swait.ge [sflag:s19], $0xA000  }
0x13: {  	[sflag:s19] =	ssyncset.done $0x0  }
0x14: {  	[sflag:s19] =	ssyncadd.s32 $0xFFFF6000  }
.LBB2_1:
0x15: {  	s21 =	simm.s32 $0x0;
	s22 =	simm.s32 $0x200  }
.LBB2_2:
0x16: {  	p0 =	sne.s32 s22, $0x27E00;
	[tilespmem:s21+$0x7270] =	vst v1  }
0x17: {  	[tilespmem:s21+$0x7200] =	vst v1  }
0x18: {  	[tilespmem:s21+$0x7210] =	vst v1  }
.Ltmp2:
0x19: {  	[tilespmem:s21+$0x7220] =	vst v1;
	(pc) =	sbr.rel @p0 .LBB2_2-.Ltmp2, $4  }
0x1a: {  	[tilespmem:s21+$0x7230] =	vst v1  }
0x1b: {  	[tilespmem:s21+$0x7240] =	vst v1  }
0x1c: {  	[tilespmem:s21+$0x7250] =	vst v1  }
0x1d: {  	[tilespmem:s21+$0x7260] =	vst v1;
	s21 =	sshra.s32 s22, $0x2;
	s22 =	sadd.s32 $0x200, s22  }
0x1e: {  	[tilespmem:s21+$0x7270] =	vst v1  }
0x1f: {  	[tilespmem:s21+$0x7200] =	vst v1  }
0x20: {  	[tilespmem:s21+$0x7210] =	vst v1  }
0x21: {  	[tilespmem:s21+$0x7220] =	vst v1  }
0x22: {  	[tilespmem:s21+$0x7230] =	vst v1  }
0x23: {  	[tilespmem:s21+$0x7240] =	vst v1  }
0x24: {  	[tilespmem:s21+$0x7250] =	vst v1  }
0x25: {  	[tilespmem:s21+$0x7260] =	vst v1;
	s21 =	simm.s32 $0x40;
	s22 =	simm.s32 $0x0  }
.LBB2_4:
0x26: {  	p0 =	sne.s32 s21, $0x4040;
	[tilespmem:s22+$0x1000] =	vst v2;
	s23 =	smov.u32 s21;
	s21 =	sadd.s32 $0x40, s21  }
.Ltmp3:
0x27: {  	[tilespmem:s22+$0x2080] =	vst v2;
	(pc) =	sbr.rel @p0 .LBB2_4-.Ltmp3, $2  }
0x28: {  	_ =	sdelay $0x2  }
0x29: {  	s22 =	sshra.s32 s23, $0x2  }
0x2a: {  	[tilespmem:s22+$0x1000] =	vst v2  }
0x2b: {  	[tilespmem:s22+$0x2080] =	vst v2  }
0x2c: {  	[tilespmem:$0x3100] =	vst v2  }
0x2d: {  	[tilespmem:$0x3180] =	vst v2  }
0x2e: {  	[tilespmem:$0x3110] =	vst v2  }
0x2f: {  	[tilespmem:$0x3190] =	vst v2  }
0x30: {  	[tilespmem:$0x3120] =	vst v2  }
0x31: {  	[tilespmem:$0x31A0] =	vst v2  }
0x32: {  	[tilespmem:$0x3130] =	vst v2  }
0x33: {  	[tilespmem:$0x31B0] =	vst v2  }
0x34: {  	[tilespmem:$0x3140] =	vst v2  }
0x35: {  	[tilespmem:$0x31C0] =	vst v2  }
0x36: {  	[tilespmem:s10], [sflag:$0x1] =	stream.indirect.gather [hbm4b:s3+s8], $0x80, s9, s8, $0xb8;
	[tilespmem:$0x11200] =	vst v63  }
.Ltmp4:
0x37: {  	_ = 	snop;
	(pc) =	sbr.rel .LBB2_7-.Ltmp4, $4  }
0x38: {  	s24 =	simm.s32 $0x0  }
0x39: {  	[tilespmem:s24], [sflag:$0x3] =	stream.linear.gather [hbm4b:s2+s24], $0x7D0, $0x38;
	[tilespmem:$0x11200] =	vst v63  }
0x3a: {  	s21 =	simm.s32 $0x0;
	s25 =	simm.s32 $0x0  }
0x3b: {  	[tilespmem:s11], [sflag:$0x3] =	stream.linear.gather [hbm4b:s5+s24], $0x7D0, $0x38;
	[tilespmem:$0x11200] =	vst v63  }
.LBB2_23:
0x3c: {  	s28 =	simm.s32 $0x20C0  }
.LBB2_27:
0x3d: {  	s28 =	sadd.s32 @p1 $0x10, s28  }
0x3e: {  	[tilespmem:s26+$0xFFFFFFC0] =	vst v3;
	s23 =	smov.u32 @p1 s28  }
0x3f: {  	v3 =	vld [tilespmem:s23+$0x0];
	_ =	sdelay $0x4  }
0x40: {  	[tilespmem:s23+$0xFFFFFFC0] =	vst v3  }
.LBB2_6:
0x41: {  	p1 =	seq.s32 s25, $0xA0  }
.Ltmp5:
0x42: {  	_ = 	snop;
	(pc) =	sbr.rel @p1 .LBB2_28-.Ltmp5, $1  }
0x43: {  	_ =	sdelay $0x3  }
.LBB2_7:
0x44: {  	_ =	swait.ge [sflag:s12], $0x7D0  }
0x45: {  	[sflag:s12] =	ssyncset.done $0x0  }
0x46: {  	[sflag:s12] =	ssyncadd.s32 $0xFFFFF830  }
0x47: {  	_ =	swait.ge [sflag:s12], $0x7D0  }
0x48: {  	[sflag:s12] =	ssyncset.done $0x0  }
0x49: {  	s22 =	simm.s32 $0x0;
	[sflag:s12] =	ssyncadd.s32 $0xFFFFF830  }
0x4a: {  	v3 =	vld [tilespmem:s22+$0x0];
	_ =	sdelay $0x4  }
0x4b: {  	v3 =	vadd.s32 v0, v3  }
0x4c: {  	vm0 =	vlt.u32 v3, $0x140  }
0x4d: {  	v4 =	vsel vm0, $0x1, v2  }
0x4e: {  	(xrf0) =	vadd.scan.msk.s32 $0xffff, v4;
	_ =	sdelay $0x2  }
0x4f: {  	v63 =	vmov s21  }
0x50: {  	v4 =	vadd.s32 $0xFFFFFFFF, v63  }
0x51: {  	v4 =	vbroadcast v4, $0x0  }
0x52: {  	v5, _, _ =	vpop (xrf0)  }
0x53: {  	v4 =	vadd.s32 v5, v4;
	(v2sf) =	vpush v5, $0xF  }
0x54: {  	v6 =	vld [tilespmem:s22+$0x800];
	v4 =	vnsel vm0, $0x1000, v4;
	_ =	sdelay $0x4  }
0x55: {  	[tilespmem:v4+s13+$0x0] =	vst.idx.msk $0xffff, v6  }
0x56: {  	s23 =	smov.u32 s25;
	s25 =	simm.s32 $0x80;
	s22 =	simm.s32 $0x10;
	[tilespmem:v4+s14+$0x0] =	vst.idx.msk $0xffff, v3  }
.LBB2_8:
0x57: {  	p0 =	sne.s32 s25, $0x1F00;
	v3 =	vld [tilespmem:s22+$0x0];
	_ =	sdelay $0x4  }
0x58: {  	v3 =	vadd.s32 v0, v3  }
0x59: {  	vm0 =	vlt.u32 v3, $0x140  }
0x5a: {  	v4 =	vsel vm0, $0x1, v2;
	s26 =	spop (v2sf)  }
0x5b: {  	(xrf0) =	vadd.scan.msk.s32 $0xffff, v4;
	s21 =	sadd.s32 s21, s26  }
0x5c: {  	v4 =	vmov s21  }
0x5d: {  	v4 =	vadd.s32 $0xFFFFFFFF, v4  }
0x5e: {  	v4 =	vbroadcast v4, $0x0;
	_ =	sdelay $0x2  }
0x5f: {  	v5, _, _ =	vpop (xrf0)  }
0x60: {  	v4 =	vadd.s32 v5, v4;
	(v2sf) =	vpush v5, $0xF  }
0x61: {  	v5 =	vld [tilespmem:s22+$0x800];
	v4 =	vnsel vm0, $0x1000, v4;
	_ =	sdelay $0x1  }
.Ltmp6:
0x62: {  	(pc) =	sbr.rel @p0 .LBB2_8-.Ltmp6, $3  }
0x63: {  	_ =	sdelay $0x1  }
0x64: {  	[tilespmem:v4+s13+$0x0] =	vst.idx.msk $0xffff, v5  }
0x65: {  	s22 =	sshra.s32 s25, $0x2;
	s25 =	sadd.s32 $0x40, s25;
	[tilespmem:v4+s14+$0x0] =	vst.idx.msk $0xffff, v3  }
0x66: {  	v3 =	vld [tilespmem:s22+$0x0];
	_ =	sdelay $0x4  }
0x67: {  	v3 =	vadd.s32 v0, v3  }
0x68: {  	vm0 =	vlt.u32 v3, $0x140  }
0x69: {  	v4 =	vsel vm0, $0x1, v2  }
0x6a: {  	(xrf0) =	vadd.scan.msk.s32 $0xffff, v4;
	_ =	sdelay $0x5  }
0x6b: {  	v4, _, _ =	vpop (xrf0)  }
0x6c: {  	(v2sf) =	vpush v4, $0xF;
	_ =	sdelay $0x1  }
0x6d: {  	s25 =	spop (v2sf)  }
0x6e: {  	s21 =	sadd.s32 s21, s25  }
0x6f: {  	v5 =	vmov s21  }
0x70: {  	v5 =	vadd.s32 $0xFFFFFFFF, v5  }
0x71: {  	v5 =	vbroadcast v5, $0x0;
	_ =	sdelay $0x1  }
0x72: {  	v4 =	vadd.s32 v4, v5  }
0x73: {  	v63 =	vld [tilespmem:s22+$0x800];
	v4 =	vnsel vm0, $0x1000, v4;
	_ =	sdelay $0x3  }
0x74: {  	p0 =	slt.s32 s24, $0x1  }
.Ltmp7:
0x75: {  	[tilespmem:v4+s13+$0x0] =	vst.idx.msk $0xffff, v63;
	(pc) =	sbr.rel @p0 .LBB2_13-.Ltmp7, $4  }
0x76: {  	[tilespmem:v4+s14+$0x0] =	vst.idx.msk $0xffff, v3;
	s31 =	spop (v2sf)  }
0x77: {  	_ =	swait.ge [sflag:s15], $0x2000  }
0x78: {  	[sflag:s15] =	ssyncset.done $0x0  }
0x79: {  	s22 =	sadd.s32 s21, s31;
	[sflag:s15] =	ssyncadd.s32 $0xFFFFE000  }
0x7a: {  	s21 =	simm.s32 $0x3180  }
0x7b: {  	v3 =	vld [tilespmem:s21+$0x0];
	_ =	sdelay $0x4  }
0x7c: {  	(v2sf) =	vpush v3, $0x0;
	_ =	sdelay $0xe  }
0x7d: {  	s26 =	spop (v2sf)  }
0x7e: {  	s25 =	simm.s32 $0x3240;
	s26 =	sshll.u32 s26, $0x9  }
0x7f: {  	v3 =	vld [tilespmem:s25+$0xFFFFFFC0];
	s26 =	sshra.s32 s26, $0x2  }
0x80: {  	v4 =	vld [tilespmem:s26+$0x7200];
	_ =	sdelay $0x4  }
0x81: {  	v3 =	vmin.f32 v4, v3  }
0x82: {  	[tilespmem:s26+$0x7200] =	vst v3;
	v3 =	vld [tilespmem:s26+$0x7210]  }
0x83: {  	v4 =	vld [tilespmem:s25+$0xFFFFFFD0];
	_ =	sdelay $0x4  }
0x84: {  	v3 =	vmin.f32 v3, v4  }
0x85: {  	[tilespmem:s26+$0x7210] =	vst v3;
	v3 =	vld [tilespmem:s26+$0x7220]  }
0x86: {  	v4 =	vld [tilespmem:s25+$0xFFFFFFE0];
	_ =	sdelay $0x4  }
0x87: {  	v3 =	vmin.f32 v3, v4  }
0x88: {  	[tilespmem:s26+$0x7220] =	vst v3;
	v3 =	vld [tilespmem:s26+$0x7230]  }
0x89: {  	v4 =	vld [tilespmem:s25+$0xFFFFFFF0];
	_ =	sdelay $0x4  }
0x8a: {  	v3 =	vmin.f32 v3, v4  }
0x8b: {  	[tilespmem:s26+$0x7230] =	vst v3;
	v3 =	vld [tilespmem:s26+$0x7240]  }
0x8c: {  	v4 =	vld [tilespmem:s25+$0x0];
	_ =	sdelay $0x4  }
0x8d: {  	v3 =	vmin.f32 v3, v4  }
0x8e: {  	[tilespmem:s26+$0x7240] =	vst v3;
	v3 =	vld [tilespmem:s26+$0x7250]  }
0x8f: {  	v4 =	vld [tilespmem:s25+$0x10];
	_ =	sdelay $0x4  }
0x90: {  	v3 =	vmin.f32 v3, v4  }
0x91: {  	[tilespmem:s26+$0x7250] =	vst v3;
	v3 =	vld [tilespmem:s26+$0x7260]  }
0x92: {  	v4 =	vld [tilespmem:s25+$0x20];
	_ =	sdelay $0x4  }
0x93: {  	v3 =	vmin.f32 v3, v4  }
0x94: {  	[tilespmem:s26+$0x7260] =	vst v3;
	v3 =	vld [tilespmem:s26+$0x7270]  }
0x95: {  	p0 =	sne.s32 s24, $0x1;
	v4 =	vld [tilespmem:s25+$0x30]  }
.Ltmp8:
0x96: {  	_ = 	snop;
	(pc) =	sbr.rel @!p0 .LBB2_12-.Ltmp8, $2  }
0x97: {  	_ =	sdelay $0x2  }
0x98: {  	s24 =	sadd.s32 $0xFFFFFFFF, s24;
	v3 =	vmin.f32 v3, v4  }
.LBB2_11:
0x99: {  	p0 =	sne.s32 s24, $0x1;
	[tilespmem:s26+$0x7270] =	vst v3;
	s21 =	sadd.s32 $0x1, s21;
	s25 =	sadd.s32 $0x80, s25  }
0x9a: {  	s24 =	sadd.s32 $0xFFFFFFFF, s24;
	v3 =	vld [tilespmem:s21+$0x0];
	_ =	sdelay $0x4  }
0x9b: {  	(v2sf) =	vpush v3, $0x0;
	_ =	sdelay $0xe  }
0x9c: {  	s26 =	spop (v2sf)  }
0x9d: {  	s26 =	sshll.u32 s26, $0x9  }
0x9e: {  	s26 =	sshra.s32 s26, $0x2;
	v3 =	vld [tilespmem:s25+$0xFFFFFFC0]  }
0x9f: {  	v4 =	vld [tilespmem:s26+$0x7200];
	_ =	sdelay $0x4  }
0xa0: {  	v3 =	vmin.f32 v4, v3  }
0xa1: {  	[tilespmem:s26+$0x7200] =	vst v3;
	v3 =	vld [tilespmem:s26+$0x7210]  }
0xa2: {  	v4 =	vld [tilespmem:s25+$0xFFFFFFD0];
	_ =	sdelay $0x4  }
0xa3: {  	v3 =	vmin.f32 v3, v4  }
0xa4: {  	[tilespmem:s26+$0x7210] =	vst v3;
	v3 =	vld [tilespmem:s26+$0x7220]  }
0xa5: {  	v4 =	vld [tilespmem:s25+$0xFFFFFFE0];
	_ =	sdelay $0x4  }
0xa6: {  	v3 =	vmin.f32 v3, v4  }
0xa7: {  	[tilespmem:s26+$0x7220] =	vst v3;
	v3 =	vld [tilespmem:s26+$0x7230]  }
0xa8: {  	v4 =	vld [tilespmem:s25+$0xFFFFFFF0];
	_ =	sdelay $0x4  }
0xa9: {  	v3 =	vmin.f32 v3, v4  }
0xaa: {  	[tilespmem:s26+$0x7230] =	vst v3;
	v3 =	vld [tilespmem:s26+$0x7240]  }
0xab: {  	v4 =	vld [tilespmem:s25+$0x0];
	_ =	sdelay $0x4  }
0xac: {  	v3 =	vmin.f32 v3, v4  }
0xad: {  	[tilespmem:s26+$0x7240] =	vst v3;
	v3 =	vld [tilespmem:s26+$0x7250]  }
0xae: {  	v4 =	vld [tilespmem:s25+$0x10];
	_ =	sdelay $0x4  }
0xaf: {  	v3 =	vmin.f32 v3, v4  }
0xb0: {  	[tilespmem:s26+$0x7250] =	vst v3;
	v3 =	vld [tilespmem:s26+$0x7260]  }
0xb1: {  	v4 =	vld [tilespmem:s25+$0x20];
	_ =	sdelay $0x4  }
0xb2: {  	v3 =	vmin.f32 v3, v4  }
0xb3: {  	[tilespmem:s26+$0x7260] =	vst v3;
	v3 =	vld [tilespmem:s26+$0x7270]  }
0xb4: {  	v4 =	vld [tilespmem:s25+$0x30]  }
.Ltmp9:
0xb5: {  	(pc) =	sbr.rel @p0 .LBB2_11-.Ltmp9, $2  }
0xb6: {  	_ =	sdelay $0x2  }
0xb7: {  	v3 =	vmin.f32 v3, v4  }
.LBB2_12:
0xb8: {  	[tilespmem:s26+$0x7270] =	vst v3  }
.LBB2_13:
0xb9: {  	p0 =	slt.s32 s22, $0x7F1  }
0xba: {  	s21 =	sadd.s32 @!p0 $0x3F, s22  }
0xbb: {  	s24 =	sand.u32 @!p0 $0x3F, s21  }
0xbc: {  	p1 =	slt.s32 @!p0 s21, $0x0;
	p2 =	sne.s32 @!p0 s24, $0x0  }
0xbd: {  	s24 =	sshra.s32 @!p0 s21, $0x1F;
	p1 =	por @!p0 !p1, !p2  }
0xbe: {  	s24 =	sshrl.u32 @!p0 s24, $0x1A;
	p1 =	por @!p0 !p1, !p1  }
0xbf: {  	s21 =	sadd.s32 @!p0 s24, s21;
	s24 =	simm.s32 @!p0 $0x1;
	p1 =	por !p1, p0  }
0xc0: {  	s21 =	sshra.s32 @!p0 s21, $0x6;
	s24 =	simm.s32 @p1 $0x0  }
0xc1: {  	s21 =	ssub.s32 @!p0 s21, s24  }
0xc2: {  	p1 =	slt.s32 @!p0 s21, $0x1  }
0xc3: {  	p1 =	por p0, p1  }
.Ltmp10:
0xc4: {  	_ = 	snop;
	(pc) =	sbr.rel @!p1 .LBB2_15-.Ltmp10, $2  }
0xc5: {  	_ =	sdelay $0x2  }
0xc6: {  	s26 =	smov.u32 s22;
	s25 =	simm.s32 @!p0 $0x2080;
	s24 =	simm.s32 @!p0 $0x0  }
.Ltmp11:
0xc7: {  	(pc) =	sbr.rel .LBB2_21-.Ltmp11, $2  }
0xc8: {  	_ =	sdelay $0x2  }
0xc9: {  	s22 =	simm.s32 @!p0 $0x0  }
.LBB2_18:
0xca: {  	[tilespmem:s29+$0x7270] =	vst v3  }
.LBB2_19:
0xcb: {  	s24 =	sadd.s32 $0x1, s24  }
0xcc: {  	p0 =	sne.s32 s24, s21  }
.Ltmp12:
0xcd: {  	_ = 	snop;
	(pc) =	sbr.rel @!p0 .LBB2_20-.Ltmp12, $2  }
0xce: {  	_ =	sdelay $0x2  }
0xcf: {  	s26 =	sadd.s32 $0xFFFFFFC0, s26;
	s25 =	sadd.s32 $0x40, s25  }
.LBB2_15:
0xd0: {  	s28 =	sshll.u32 s24, $0x6  }
0xd1: {  	s29 =	sadd.s32 $0x1000, s28;
	s28 =	ssub.s32 s22, s28  }
0xd2: {  	p0 =	slt.s32 s28, $0x1  }
.Ltmp13:
0xd3: {  	_ = 	snop;
	(pc) =	sbr.rel @p0 .LBB2_19-.Ltmp13, $4  }
0xd4: {  	[tilespmem:s16], [sflag:$0x2] =	stream.indirect.gather [hbm4b:s3+s8], $0x80, s29, s8, $0xb8;
	[tilespmem:$0x11200] =	vst v63  }
0xd5: {  	_ =	swait.ge [sflag:s17], $0x2000  }
0xd6: {  	[sflag:s17] =	ssyncset.done $0x0  }
0xd7: {  	[sflag:s17] =	ssyncadd.s32 $0xFFFFE000  }
0xd8: {  	v3 =	vld [tilespmem:s25+$0x0];
	_ =	sdelay $0x4  }
0xd9: {  	(v2sf) =	vpush v3, $0x0;
	_ =	sdelay $0xe  }
0xda: {  	s29 =	spop (v2sf)  }
0xdb: {  	s28 =	simm.s32 $0x5240;
	s29 =	sshll.u32 s29, $0x9  }
0xdc: {  	v3 =	vld [tilespmem:s28+$0xFFFFFFC0];
	s29 =	sshra.s32 s29, $0x2  }
0xdd: {  	v4 =	vld [tilespmem:s29+$0x7200];
	_ =	sdelay $0x4  }
0xde: {  	v3 =	vmin.f32 v4, v3  }
0xdf: {  	[tilespmem:s29+$0x7200] =	vst v3;
	v3 =	vld [tilespmem:s29+$0x7210]  }
0xe0: {  	v4 =	vld [tilespmem:s28+$0xFFFFFFD0];
	_ =	sdelay $0x4  }
0xe1: {  	v3 =	vmin.f32 v3, v4  }
0xe2: {  	[tilespmem:s29+$0x7210] =	vst v3;
	v3 =	vld [tilespmem:s29+$0x7220]  }
0xe3: {  	v4 =	vld [tilespmem:s28+$0xFFFFFFE0];
	_ =	sdelay $0x4  }
0xe4: {  	v3 =	vmin.f32 v3, v4  }
0xe5: {  	[tilespmem:s29+$0x7220] =	vst v3;
	v3 =	vld [tilespmem:s29+$0x7230]  }
0xe6: {  	v4 =	vld [tilespmem:s28+$0xFFFFFFF0];
	_ =	sdelay $0x4  }
0xe7: {  	v3 =	vmin.f32 v3, v4  }
0xe8: {  	[tilespmem:s29+$0x7230] =	vst v3;
	v3 =	vld [tilespmem:s29+$0x7240]  }
0xe9: {  	v4 =	vld [tilespmem:s28+$0x0];
	_ =	sdelay $0x4  }
0xea: {  	v3 =	vmin.f32 v3, v4  }
0xeb: {  	[tilespmem:s29+$0x7240] =	vst v3;
	v3 =	vld [tilespmem:s29+$0x7250]  }
0xec: {  	v4 =	vld [tilespmem:s28+$0x10];
	_ =	sdelay $0x4  }
0xed: {  	v3 =	vmin.f32 v3, v4  }
0xee: {  	[tilespmem:s29+$0x7250] =	vst v3;
	v3 =	vld [tilespmem:s29+$0x7260]  }
0xef: {  	v4 =	vld [tilespmem:s28+$0x20];
	_ =	sdelay $0x3  }
0xf0: {  	p0 =	sgt.s32 s26, $0x1;
	s30 =	smov.u32 s26  }
0xf1: {  	s30 =	simm.s32 @!p0 $0x1;
	v3 =	vmin.f32 v3, v4  }
0xf2: {  	s30 =	smin.u32 s30, $0x40;
	[tilespmem:s29+$0x7260] =	vst v3;
	v3 =	vld [tilespmem:s29+$0x7270]  }
0xf3: {  	p0 =	sne.s32 s30, $0x1;
	v4 =	vld [tilespmem:s28+$0x30]  }
.Ltmp14:
0xf4: {  	_ = 	snop;
	(pc) =	sbr.rel @!p0 .LBB2_18-.Ltmp14, $2  }
0xf5: {  	_ =	sdelay $0x2  }
0xf6: {  	s31 =	smov.u32 s25;
	s30 =	sadd.s32 $0xFFFFFFFF, s30;
	v3 =	vmin.f32 v3, v4  }
.LBB2_17:
0xf7: {  	p0 =	sne.s32 s30, $0x1;
	[tilespmem:s29+$0x7270] =	vst v3;
	s31 =	sadd.s32 $0x1, s31;
	s28 =	sadd.s32 $0x80, s28  }
0xf8: {  	s30 =	sadd.s32 $0xFFFFFFFF, s30;
	v3 =	vld [tilespmem:s31+$0x0];
	_ =	sdelay $0x4  }
0xf9: {  	(v2sf) =	vpush v3, $0x0;
	_ =	sdelay $0xe  }
0xfa: {  	s29 =	spop (v2sf)  }
0xfb: {  	s29 =	sshll.u32 s29, $0x9  }
0xfc: {  	s29 =	sshra.s32 s29, $0x2;
	v3 =	vld [tilespmem:s28+$0xFFFFFFC0]  }
0xfd: {  	v4 =	vld [tilespmem:s29+$0x7200];
	_ =	sdelay $0x4  }
0xfe: {  	v3 =	vmin.f32 v4, v3  }
0xff: {  	[tilespmem:s29+$0x7200] =	vst v3;
	v3 =	vld [tilespmem:s29+$0x7210]  }
0x100: {  	v4 =	vld [tilespmem:s28+$0xFFFFFFD0];
	_ =	sdelay $0x4  }
0x101: {  	v3 =	vmin.f32 v3, v4  }
0x102: {  	[tilespmem:s29+$0x7210] =	vst v3;
	v3 =	vld [tilespmem:s29+$0x7220]  }
0x103: {  	v4 =	vld [tilespmem:s28+$0xFFFFFFE0];
	_ =	sdelay $0x4  }
0x104: {  	v3 =	vmin.f32 v3, v4  }
0x105: {  	[tilespmem:s29+$0x7220] =	vst v3;
	v3 =	vld [tilespmem:s29+$0x7230]  }
0x106: {  	v4 =	vld [tilespmem:s28+$0xFFFFFFF0];
	_ =	sdelay $0x4  }
0x107: {  	v3 =	vmin.f32 v3, v4  }
0x108: {  	[tilespmem:s29+$0x7230] =	vst v3;
	v3 =	vld [tilespmem:s29+$0x7240]  }
0x109: {  	v4 =	vld [tilespmem:s28+$0x0];
	_ =	sdelay $0x4  }
0x10a: {  	v3 =	vmin.f32 v3, v4  }
0x10b: {  	[tilespmem:s29+$0x7240] =	vst v3;
	v3 =	vld [tilespmem:s29+$0x7250]  }
0x10c: {  	v4 =	vld [tilespmem:s28+$0x10];
	_ =	sdelay $0x4  }
0x10d: {  	v3 =	vmin.f32 v3, v4  }
0x10e: {  	[tilespmem:s29+$0x7250] =	vst v3;
	v3 =	vld [tilespmem:s29+$0x7260]  }
0x10f: {  	v4 =	vld [tilespmem:s28+$0x20];
	_ =	sdelay $0x4  }
0x110: {  	v3 =	vmin.f32 v3, v4  }
0x111: {  	[tilespmem:s29+$0x7260] =	vst v3;
	v3 =	vld [tilespmem:s29+$0x7270]  }
0x112: {  	v4 =	vld [tilespmem:s28+$0x30]  }
.Ltmp15:
0x113: {  	(pc) =	sbr.rel @p0 .LBB2_17-.Ltmp15, $2  }
0x114: {  	_ =	sdelay $0x2  }
0x115: {  	v3 =	vmin.f32 v3, v4  }
.Ltmp16:
0x116: {  	_ = 	snop;
	(pc) =	sbr.rel .LBB2_18-.Ltmp16, $1  }
0x117: {  	_ =	sdelay $0x3  }
.LBB2_20:
0x118: {  	s22 =	simm.s32 $0x0  }
.LBB2_21:
0x119: {  	v3 =	vld [tilespmem:$0x1000]  }
0x11a: {  	v4 =	vld [tilespmem:$0x2080]  }
0x11b: {  	v5 =	vld [tilespmem:$0x1010]  }
0x11c: {  	v6 =	vld [tilespmem:$0x2090]  }
0x11d: {  	v7 =	vld [tilespmem:$0x1020]  }
0x11e: {  	v62 =	vld [tilespmem:$0x1030];
	[tilespmem:$0x3100] =	vst v3  }
0x11f: {  	v63 =	vld [tilespmem:$0x20B0];
	[tilespmem:$0x3180] =	vst v4  }
0x120: {  	v3 =	vld [tilespmem:$0x20A0];
	[tilespmem:$0x3110] =	vst v5  }
0x121: {  	[tilespmem:$0x3190] =	vst v6  }
0x122: {  	s25 =	sadd.s32 $0x1, s23;
	[tilespmem:$0x3120] =	vst v7  }
0x123: {  	s21 =	smul.u32 $0xFA, s25;
	[tilespmem:$0x3130] =	vst v62  }
0x124: {  	p0 =	seq.s32 s23, $0x9F;
	[tilespmem:$0x31B0] =	vst v63  }
0x125: {  	s21 =	simm.s32 @p0 $0x0;
	[tilespmem:$0x31A0] =	vst v3  }
0x126: {  	[tilespmem:s10], [sflag:$0x1] =	stream.indirect.gather [hbm4b:s3+s8], $0x80, s9, s8, $0xb8;
	[tilespmem:$0x11200] =	vst v63  }
0x127: {  	s24 =	smov.u32 s22;
	p0 =	slt.s32 s22, $0x40;
	s29 =	sadd.s32 s2, s21  }
0x128: {  	[tilespmem:s4], [sflag:$0x3] =	stream.linear.gather [hbm4b:s29+s4], $0x7D0, $0x38;
	[tilespmem:$0x11200] =	vst v63  }
0x129: {  	s21 =	sadd.s32 s5, s21;
	s24 =	simm.s32 @!p0 $0x40  }
0x12a: {  	[tilespmem:s11], [sflag:$0x3] =	stream.linear.gather [hbm4b:s21+s4], $0x7D0, $0x38;
	[tilespmem:$0x11200] =	vst v63  }
0x12b: {  	s21 =	ssub.s32 s22, s24  }
0x12c: {  	s30 =	sadd.s32 $0xF, s21  }
0x12d: {  	s26 =	sand.u32 $0xF, s30  }
0x12e: {  	s31 =	sshra.s32 s30, $0x1F;
	p2 =	slt.s32 s30, $0x1;
	p1 =	sne.s32 s26, $0x0  }
0x12f: {  	s26 =	sshrl.u32 s31, $0x1C;
	p1 =	por !p2, !p1  }
0x130: {  	s23 =	sadd.s32 s26, s30;
	s26 =	simm.s32 $0x1;
	p1 =	por !p1, !p1  }
0x131: {  	s23 =	sshra.s32 s23, $0x4;
	s26 =	simm.s32 @!p1 $0x0  }
0x132: {  	s28 =	ssub.s32 s23, s26  }
0x133: {  	p1 =	slt.s32 s28, $0x1  }
.Ltmp17:
0x134: {  	_ = 	snop;
	(pc) =	sbr.rel @p1 .LBB2_6-.Ltmp17, $1  }
0x135: {  	_ =	sdelay $0x3  }
0x136: {  	p2 =	seq.s32 s28, $0x1  }
.Ltmp18:
0x137: {  	s26 =	simm.s32 $0x1040;
	(pc) =	sbr.rel @p2 .LBB2_23-.Ltmp18, $2  }
0x138: {  	v3 =	vld [tilespmem:s26+$0x0];
	_ =	sdelay $0x2  }
0x139: {  	s23 =	simm.s32 $0x20C0;
	s28 =	sadd.s32 $0xFFFFFFFF, s28;
	p1 =	por $0x0, $0x0  }
0x13a: {  	_ = 	snop  }
0x13b: {  	[tilespmem:s26+$0xFFFFFFC0] =	vst v3  }
0x13c: {  	v3 =	vld [tilespmem:s23+$0x0];
	_ =	sdelay $0x3  }
0x13d: {  	p2 =	seq.s32 s28, $0x1  }
.Ltmp19:
0x13e: {  	s26 =	simm.s32 $0x1050;
	[tilespmem:s23+$0xFFFFFFC0] =	vst v3;
	(pc) =	sbr.rel @p2 .LBB2_25-.Ltmp19, $2  }
0x13f: {  	v3 =	vld [tilespmem:s26+$0x0];
	_ =	sdelay $0x2  }
0x140: {  	s29 =	sadd.s32 $0xFFFFFFFF, s28;
	p1 =	por $0x1, $0x1;
	s28 =	simm.s32 $0x20C0  }
.LBB2_26:
0x141: {  	p2 =	seq.s32 s29, $0x1;
	_ =	sdelay $0x3  }
0x142: {  	s28 =	sadd.s32 $0x10, s28;
	[tilespmem:s26+$0xFFFFFFC0] =	vst v3  }
0x143: {  	v3 =	vld [tilespmem:s28+$0x0];
	_ =	sdelay $0x1  }
.Ltmp20:
0x144: {  	(pc) =	sbr.rel @!p2 .LBB2_26-.Ltmp20, $3  }
0x145: {  	_ =	sdelay $0x1  }
0x146: {  	s26 =	sadd.s32 $0x10, s26;
	[tilespmem:s28+$0xFFFFFFC0] =	vst v3  }
0x147: {  	s29 =	sadd.s32 $0xFFFFFFFF, s29;
	v3 =	vld [tilespmem:s26+$0x0]  }
.Ltmp21:
0x148: {  	_ = 	snop;
	(pc) =	sbr.rel .LBB2_27-.Ltmp21, $1  }
0x149: {  	_ =	sdelay $0x3  }
.LBB2_25:
.Ltmp22:
0x14a: {  	(pc) =	sbr.rel .LBB2_27-.Ltmp22, $2  }
0x14b: {  	_ =	sdelay $0x2  }
0x14c: {  	s28 =	simm.s32 $0x20C0  }
.LBB2_28:
0x14d: {  	_ =	swait.ge [sflag:s12], $0x7D0  }
0x14e: {  	[sflag:s12] =	ssyncset.done $0x0  }
0x14f: {  	[sflag:s12] =	ssyncadd.s32 $0xFFFFF830  }
0x150: {  	p1 =	slt.s32 s22, $0x1;
	_ =	swait.ge [sflag:s12], $0x7D0  }
.Ltmp23:
0x151: {  	[sflag:s12] =	ssyncset.done $0x0;
	(pc) =	sbr.rel @p1 .LBB2_32-.Ltmp23, $4  }
0x152: {  	[sflag:s12] =	ssyncadd.s32 $0xFFFFF830  }
0x153: {  	_ =	swait.ge [sflag:s15], $0x2000  }
0x154: {  	[sflag:s15] =	ssyncset.done $0x0  }
0x155: {  	[sflag:s15] =	ssyncadd.s32 $0xFFFFE000  }
0x156: {  	s23 =	simm.s32 $0x3180  }
0x157: {  	v3 =	vld [tilespmem:s23+$0x0];
	_ =	sdelay $0x4  }
0x158: {  	(v2sf) =	vpush v3, $0x0;
	_ =	sdelay $0xe  }
0x159: {  	s25 =	spop (v2sf)  }
0x15a: {  	s24 =	simm.s32 $0x3240;
	s25 =	sshll.u32 s25, $0x9  }
0x15b: {  	v3 =	vld [tilespmem:s24+$0xFFFFFFC0];
	s25 =	sshra.s32 s25, $0x2  }
0x15c: {  	v4 =	vld [tilespmem:s25+$0x7200];
	_ =	sdelay $0x4  }
0x15d: {  	v3 =	vmin.f32 v4, v3  }
0x15e: {  	[tilespmem:s25+$0x7200] =	vst v3;
	v3 =	vld [tilespmem:s25+$0x7210]  }
0x15f: {  	v4 =	vld [tilespmem:s24+$0xFFFFFFD0];
	_ =	sdelay $0x4  }
0x160: {  	v3 =	vmin.f32 v3, v4  }
0x161: {  	[tilespmem:s25+$0x7210] =	vst v3;
	v3 =	vld [tilespmem:s25+$0x7220]  }
0x162: {  	v4 =	vld [tilespmem:s24+$0xFFFFFFE0];
	_ =	sdelay $0x4  }
0x163: {  	v3 =	vmin.f32 v3, v4  }
0x164: {  	[tilespmem:s25+$0x7220] =	vst v3;
	v3 =	vld [tilespmem:s25+$0x7230]  }
0x165: {  	v4 =	vld [tilespmem:s24+$0xFFFFFFF0];
	_ =	sdelay $0x4  }
0x166: {  	v3 =	vmin.f32 v3, v4  }
0x167: {  	[tilespmem:s25+$0x7230] =	vst v3;
	v3 =	vld [tilespmem:s25+$0x7240]  }
0x168: {  	v4 =	vld [tilespmem:s24+$0x0];
	_ =	sdelay $0x4  }
0x169: {  	v3 =	vmin.f32 v3, v4  }
0x16a: {  	[tilespmem:s25+$0x7240] =	vst v3;
	v3 =	vld [tilespmem:s25+$0x7250]  }
0x16b: {  	v4 =	vld [tilespmem:s24+$0x10];
	_ =	sdelay $0x4  }
0x16c: {  	v3 =	vmin.f32 v3, v4  }
0x16d: {  	[tilespmem:s25+$0x7250] =	vst v3;
	v3 =	vld [tilespmem:s25+$0x7260]  }
0x16e: {  	v4 =	vld [tilespmem:s24+$0x20];
	_ =	sdelay $0x4  }
0x16f: {  	v3 =	vmin.f32 v3, v4  }
0x170: {  	s22 =	simm.s32 @!p0 $0x40;
	[tilespmem:s25+$0x7260] =	vst v3;
	v3 =	vld [tilespmem:s25+$0x7270]  }
0x171: {  	p0 =	sne.s32 s22, $0x1;
	v4 =	vld [tilespmem:s24+$0x30]  }
.Ltmp24:
0x172: {  	_ = 	snop;
	(pc) =	sbr.rel @!p0 .LBB2_31-.Ltmp24, $2  }
0x173: {  	_ =	sdelay $0x2  }
0x174: {  	s22 =	sadd.s32 $0xFFFFFFFF, s22;
	v3 =	vmin.f32 v3, v4  }
.LBB2_30:
0x175: {  	p0 =	sne.s32 s22, $0x1;
	[tilespmem:s25+$0x7270] =	vst v3;
	s23 =	sadd.s32 $0x1, s23;
	s24 =	sadd.s32 $0x80, s24  }
0x176: {  	s22 =	sadd.s32 $0xFFFFFFFF, s22;
	v3 =	vld [tilespmem:s23+$0x0];
	_ =	sdelay $0x4  }
0x177: {  	(v2sf) =	vpush v3, $0x0;
	_ =	sdelay $0xe  }
0x178: {  	s25 =	spop (v2sf)  }
0x179: {  	s25 =	sshll.u32 s25, $0x9  }
0x17a: {  	s25 =	sshra.s32 s25, $0x2;
	v3 =	vld [tilespmem:s24+$0xFFFFFFC0]  }
0x17b: {  	v4 =	vld [tilespmem:s25+$0x7200];
	_ =	sdelay $0x4  }
0x17c: {  	v3 =	vmin.f32 v4, v3  }
0x17d: {  	[tilespmem:s25+$0x7200] =	vst v3;
	v3 =	vld [tilespmem:s25+$0x7210]  }
0x17e: {  	v4 =	vld [tilespmem:s24+$0xFFFFFFD0];
	_ =	sdelay $0x4  }
0x17f: {  	v3 =	vmin.f32 v3, v4  }
0x180: {  	[tilespmem:s25+$0x7210] =	vst v3;
	v3 =	vld [tilespmem:s25+$0x7220]  }
0x181: {  	v4 =	vld [tilespmem:s24+$0xFFFFFFE0];
	_ =	sdelay $0x4  }
0x182: {  	v3 =	vmin.f32 v3, v4  }
0x183: {  	[tilespmem:s25+$0x7220] =	vst v3;
	v3 =	vld [tilespmem:s25+$0x7230]  }
0x184: {  	v4 =	vld [tilespmem:s24+$0xFFFFFFF0];
	_ =	sdelay $0x4  }
0x185: {  	v3 =	vmin.f32 v3, v4  }
0x186: {  	[tilespmem:s25+$0x7230] =	vst v3;
	v3 =	vld [tilespmem:s25+$0x7240]  }
0x187: {  	v4 =	vld [tilespmem:s24+$0x0];
	_ =	sdelay $0x4  }
0x188: {  	v3 =	vmin.f32 v3, v4  }
0x189: {  	[tilespmem:s25+$0x7240] =	vst v3;
	v3 =	vld [tilespmem:s25+$0x7250]  }
0x18a: {  	v4 =	vld [tilespmem:s24+$0x10];
	_ =	sdelay $0x4  }
0x18b: {  	v3 =	vmin.f32 v3, v4  }
0x18c: {  	[tilespmem:s25+$0x7250] =	vst v3;
	v3 =	vld [tilespmem:s25+$0x7260]  }
0x18d: {  	v4 =	vld [tilespmem:s24+$0x20];
	_ =	sdelay $0x4  }
0x18e: {  	v3 =	vmin.f32 v3, v4  }
0x18f: {  	[tilespmem:s25+$0x7260] =	vst v3;
	v3 =	vld [tilespmem:s25+$0x7270]  }
0x190: {  	v4 =	vld [tilespmem:s24+$0x30]  }
.Ltmp25:
0x191: {  	(pc) =	sbr.rel @p0 .LBB2_30-.Ltmp25, $2  }
0x192: {  	_ =	sdelay $0x2  }
0x193: {  	v3 =	vmin.f32 v3, v4  }
.LBB2_31:
0x194: {  	[tilespmem:s25+$0x7270] =	vst v3  }
.LBB2_32:
0x195: {  	s22 =	sadd.s32 $0x3F, s21  }
0x196: {  	s23 =	sand.u32 $0x3F, s22  }
0x197: {  	s24 =	sshra.s32 s22, $0x1F;
	p0 =	slt.s32 s22, $0x1;
	p1 =	sne.s32 s23, $0x0  }
0x198: {  	s31 =	sshrl.u32 s24, $0x1A;
	p0 =	por !p0, !p1  }
0x199: {  	s23 =	simm.s32 $0x1;
	s22 =	sadd.s32 s31, s22;
	p0 =	por !p0, !p0  }
0x19a: {  	s22 =	sshra.s32 s22, $0x6;
	s23 =	simm.s32 @!p0 $0x0  }
0x19b: {  	s22 =	ssub.s32 s22, s23  }
0x19c: {  	p0 =	slt.s32 s22, $0x1  }
.Ltmp26:
0x19d: {  	_ = 	snop;
	(pc) =	sbr.rel @p0 .LBB2_39-.Ltmp26, $1  }
0x19e: {  	_ =	sdelay $0x3  }
.Ltmp27:
0x19f: {  	(pc) =	sbr.rel .LBB2_34-.Ltmp27, $2  }
0x1a0: {  	_ =	sdelay $0x2  }
0x1a1: {  	s23 =	simm.s32 $0x0;
	s24 =	simm.s32 $0x2080;
	s25 =	smov.u32 s21  }
.LBB2_37:
0x1a2: {  	[tilespmem:s28+$0x7270] =	vst v3  }
.LBB2_38:
0x1a3: {  	s23 =	sadd.s32 $0x1, s23  }
0x1a4: {  	p0 =	sne.s32 s23, s22  }
.Ltmp28:
0x1a5: {  	_ = 	snop;
	(pc) =	sbr.rel @!p0 .LBB2_39-.Ltmp28, $2  }
0x1a6: {  	_ =	sdelay $0x2  }
0x1a7: {  	s25 =	sadd.s32 $0xFFFFFFC0, s25;
	s24 =	sadd.s32 $0x40, s24  }
.LBB2_34:
0x1a8: {  	s26 =	sshll.u32 s23, $0x6  }
0x1a9: {  	s28 =	sadd.s32 $0x1000, s26;
	s26 =	ssub.s32 s21, s26  }
0x1aa: {  	p0 =	slt.s32 s26, $0x1  }
.Ltmp29:
0x1ab: {  	_ = 	snop;
	(pc) =	sbr.rel @p0 .LBB2_38-.Ltmp29, $4  }
0x1ac: {  	[tilespmem:s16], [sflag:$0x2] =	stream.indirect.gather [hbm4b:s3+s8], $0x80, s28, s8, $0xb8;
	[tilespmem:$0x11200] =	vst v63  }
0x1ad: {  	_ =	swait.ge [sflag:s17], $0x2000  }
0x1ae: {  	[sflag:s17] =	ssyncset.done $0x0  }
0x1af: {  	[sflag:s17] =	ssyncadd.s32 $0xFFFFE000  }
0x1b0: {  	v3 =	vld [tilespmem:s24+$0x0];
	_ =	sdelay $0x4  }
0x1b1: {  	(v2sf) =	vpush v3, $0x0;
	_ =	sdelay $0xe  }
0x1b2: {  	s28 =	spop (v2sf)  }
0x1b3: {  	s26 =	simm.s32 $0x5240;
	s28 =	sshll.u32 s28, $0x9  }
0x1b4: {  	v3 =	vld [tilespmem:s26+$0xFFFFFFC0];
	s28 =	sshra.s32 s28, $0x2  }
0x1b5: {  	v4 =	vld [tilespmem:s28+$0x7200];
	_ =	sdelay $0x4  }
0x1b6: {  	v3 =	vmin.f32 v4, v3  }
0x1b7: {  	[tilespmem:s28+$0x7200] =	vst v3;
	v3 =	vld [tilespmem:s28+$0x7210]  }
0x1b8: {  	v4 =	vld [tilespmem:s26+$0xFFFFFFD0];
	_ =	sdelay $0x4  }
0x1b9: {  	v3 =	vmin.f32 v3, v4  }
0x1ba: {  	[tilespmem:s28+$0x7210] =	vst v3;
	v3 =	vld [tilespmem:s28+$0x7220]  }
0x1bb: {  	v4 =	vld [tilespmem:s26+$0xFFFFFFE0];
	_ =	sdelay $0x4  }
0x1bc: {  	v3 =	vmin.f32 v3, v4  }
0x1bd: {  	[tilespmem:s28+$0x7220] =	vst v3;
	v3 =	vld [tilespmem:s28+$0x7230]  }
0x1be: {  	v4 =	vld [tilespmem:s26+$0xFFFFFFF0];
	_ =	sdelay $0x4  }
0x1bf: {  	v3 =	vmin.f32 v3, v4  }
0x1c0: {  	[tilespmem:s28+$0x7230] =	vst v3;
	v3 =	vld [tilespmem:s28+$0x7240]  }
0x1c1: {  	v4 =	vld [tilespmem:s26+$0x0];
	_ =	sdelay $0x4  }
0x1c2: {  	v3 =	vmin.f32 v3, v4  }
0x1c3: {  	[tilespmem:s28+$0x7240] =	vst v3;
	v3 =	vld [tilespmem:s28+$0x7250]  }
0x1c4: {  	v4 =	vld [tilespmem:s26+$0x10];
	_ =	sdelay $0x4  }
0x1c5: {  	v3 =	vmin.f32 v3, v4  }
0x1c6: {  	[tilespmem:s28+$0x7250] =	vst v3;
	v3 =	vld [tilespmem:s28+$0x7260]  }
0x1c7: {  	v4 =	vld [tilespmem:s26+$0x20];
	_ =	sdelay $0x2  }
0x1c8: {  	p0 =	sgt.s32 s25, $0x1;
	s29 =	smov.u32 s25  }
0x1c9: {  	s29 =	simm.s32 @!p0 $0x1  }
0x1ca: {  	s29 =	smin.u32 s29, $0x40;
	v3 =	vmin.f32 v3, v4  }
0x1cb: {  	s29 =	sshll.u32 s29, $0x2;
	[tilespmem:s28+$0x7260] =	vst v3;
	v3 =	vld [tilespmem:s28+$0x7270]  }
0x1cc: {  	p0 =	sne.s32 s29, $0x4;
	v4 =	vld [tilespmem:s26+$0x30]  }
.Ltmp30:
0x1cd: {  	_ = 	snop;
	(pc) =	sbr.rel @!p0 .LBB2_37-.Ltmp30, $2  }
0x1ce: {  	_ =	sdelay $0x2  }
0x1cf: {  	s30 =	smov.u32 s24;
	s29 =	sadd.s32 $0xFFFFFFFC, s29;
	v3 =	vmin.f32 v3, v4  }
.LBB2_36:
0x1d0: {  	p0 =	sne.s32 s29, $0x4;
	[tilespmem:s28+$0x7270] =	vst v3;
	s30 =	sadd.s32 $0x1, s30;
	s26 =	sadd.s32 $0x80, s26  }
0x1d1: {  	s29 =	sadd.s32 $0xFFFFFFFC, s29;
	v3 =	vld [tilespmem:s30+$0x0];
	_ =	sdelay $0x4  }
0x1d2: {  	(v2sf) =	vpush v3, $0x0;
	_ =	sdelay $0xe  }
0x1d3: {  	s28 =	spop (v2sf)  }
0x1d4: {  	s28 =	sshll.u32 s28, $0x9  }
0x1d5: {  	s28 =	sshra.s32 s28, $0x2;
	v3 =	vld [tilespmem:s26+$0xFFFFFFC0]  }
0x1d6: {  	v4 =	vld [tilespmem:s28+$0x7200];
	_ =	sdelay $0x4  }
0x1d7: {  	v3 =	vmin.f32 v4, v3  }
0x1d8: {  	[tilespmem:s28+$0x7200] =	vst v3;
	v3 =	vld [tilespmem:s28+$0x7210]  }
0x1d9: {  	v4 =	vld [tilespmem:s26+$0xFFFFFFD0];
	_ =	sdelay $0x4  }
0x1da: {  	v3 =	vmin.f32 v3, v4  }
0x1db: {  	[tilespmem:s28+$0x7210] =	vst v3;
	v3 =	vld [tilespmem:s28+$0x7220]  }
0x1dc: {  	v4 =	vld [tilespmem:s26+$0xFFFFFFE0];
	_ =	sdelay $0x4  }
0x1dd: {  	v3 =	vmin.f32 v3, v4  }
0x1de: {  	[tilespmem:s28+$0x7220] =	vst v3;
	v3 =	vld [tilespmem:s28+$0x7230]  }
0x1df: {  	v4 =	vld [tilespmem:s26+$0xFFFFFFF0];
	_ =	sdelay $0x4  }
0x1e0: {  	v3 =	vmin.f32 v3, v4  }
0x1e1: {  	[tilespmem:s28+$0x7230] =	vst v3;
	v3 =	vld [tilespmem:s28+$0x7240]  }
0x1e2: {  	v4 =	vld [tilespmem:s26+$0x0];
	_ =	sdelay $0x4  }
0x1e3: {  	v3 =	vmin.f32 v3, v4  }
0x1e4: {  	[tilespmem:s28+$0x7240] =	vst v3;
	v3 =	vld [tilespmem:s28+$0x7250]  }
0x1e5: {  	v4 =	vld [tilespmem:s26+$0x10];
	_ =	sdelay $0x4  }
0x1e6: {  	v3 =	vmin.f32 v3, v4  }
0x1e7: {  	[tilespmem:s28+$0x7250] =	vst v3;
	v3 =	vld [tilespmem:s28+$0x7260]  }
0x1e8: {  	v4 =	vld [tilespmem:s26+$0x20];
	_ =	sdelay $0x4  }
0x1e9: {  	v3 =	vmin.f32 v3, v4  }
0x1ea: {  	[tilespmem:s28+$0x7260] =	vst v3;
	v3 =	vld [tilespmem:s28+$0x7270]  }
0x1eb: {  	v4 =	vld [tilespmem:s26+$0x30]  }
.Ltmp31:
0x1ec: {  	(pc) =	sbr.rel @p0 .LBB2_36-.Ltmp31, $2  }
0x1ed: {  	_ =	sdelay $0x2  }
0x1ee: {  	v3 =	vmin.f32 v3, v4  }
.Ltmp32:
0x1ef: {  	_ = 	snop;
	(pc) =	sbr.rel .LBB2_37-.Ltmp32, $1  }
0x1f0: {  	_ =	sdelay $0x3  }
.LBB2_40:
0x1f1: {  	_ =	sfence.sel $0x180000  }
0x1f2: {  	[bflag:$0x0] =	sbarrier.arrive $0xFFFF  }
0x1f3: {  	p0 =	sne.s32 s0, $0x0;
	_ =	strace $0x90000047  }
0x1f4: {  	s0 =	sadd.s32 @!p0 $0x100000, s1;
	[bflag:$0x2] =	sbarrier.arrive $0xFFFF  }
0x1f5: {  	[sflag:s0] =	ssyncadd.tile.s32 @!p0 $0x1;
	_ =	shalt  }
.Lfunc_end2:
_tile_overlayer_lowered:
.L_overlay_start_2:
0x1f6: {  	(tag) =	ssettag $0x2  }
0x1f7: {  	s0 =	rddreg [dreg:$0x0];
	s2 =	stileid.u32  }
0x1f8: {  	s1 =	rddreg [dreg:$0x1];
	p0 =	sne.s32 s2, $0x0  }
0x1f9: {  	s3 =	rddreg [dreg:$0x2];
	[bflag:$0x3] =	sbarrier.arrive $0xFFFF;
	s2 =	simm.s32 @!p0 $0x1C04  }
0x1fa: {  	[timem:s3], [sflag:s2] =	dma.local @!p0 [hbm:s0], s1  }
0x1fb: {  	s0 =	simm.s32 @!p0 $0x4  }
0x1fc: {  	_ =	swait.ge @!p0 [sflag:s0], s1  }
0x1fd: {  	s1 =	ssub.s32 @!p0 $0x0, s1;
	[sflag:s0] =	ssyncset.done @!p0 $0x0  }
0x1fe: {  	[sflag:s0] =	ssyncadd.s32 @!p0 s1  }
0x1ff: {  	[bflag:$0x3] =	sbarrier.arrive $0xFFFF  }
0x200: {  	_ =	shalt  }

</sc_bundles>
